<compile_context>
chip_gen: v7x
topology: tpu7x:2x2x1
jax: 0.10.2.dev20260603
libtpu: 0.0.44.dev20260713+nightly
codegen_flags: <defaults>
</compile_context>

<pallas_src>
import functools

import jax
import jax.numpy as jnp
import numpy as np
from jax import lax
from jax.experimental import pallas as pl
from jax.experimental.pallas import tpu as pltpu
from jax.experimental.pallas import tpu_sc as plsc

_N_SAMPLES = 1_000_000
_N_CLUSTERS = 8192
_D = 64

_NC = 2
_NS = 16
_NW = _NC * _NS
_RPW = _N_CLUSTERS // _NW
_L = 16
_OSLAB = 128


def _threefry2x32(k1, k2, x1, x2):
    k1 = np.uint32(k1)
    k2 = np.uint32(k2)
    a = x1.astype(np.uint32)
    b = x2.astype(np.uint32)

    def rotl(x, d):
        return (x << np.uint32(d)) | (x >> np.uint32(32 - d))

    ks = [k1, k2, k1 ^ k2 ^ np.uint32(0x1BD11BDA)]
    rot_a = (13, 15, 26, 6)
    rot_b = (17, 29, 16, 24)

    def rounds(a, b, rots):
        for r in rots:
            a = a + b
            b = rotl(b, r)
            b = a ^ b
        return a, b

    a = a + ks[0]
    b = b + ks[1]
    for i, rots in enumerate((rot_a, rot_b, rot_a, rot_b, rot_a)):
        a, b = rounds(a, b, rots)
        a = a + ks[(i + 1) % 3]
        b = b + ks[(i + 2) % 3] + np.uint32(i + 1)
    return a, b


def _perm_indices(seed, n, take):
    err = np.seterr(over="ignore")
    try:
        def split2(key):
            o1, o2 = _threefry2x32(
                key[0], key[1],
                np.zeros(2, np.uint32), np.arange(2, dtype=np.uint32))
            return np.stack([o1, o2], axis=1)

        def random_bits(key, n):
            o1, o2 = _threefry2x32(
                key[0], key[1],
                np.zeros(n, np.uint32), np.arange(n, dtype=np.uint32))
            return o1 ^ o2

        key = np.array([seed >> 32, seed & 0xFFFFFFFF], dtype=np.uint32)
        x = np.arange(n, dtype=np.int64)
        num_rounds = int(np.ceil(3 * np.log(max(1, n)) / np.log(2**32 - 1)))
        for _ in range(num_rounds):
            ks = split2(key)
            key, subkey = ks[0], ks[1]
            x = x[np.argsort(random_bits(subkey, n), kind="stable")]
        return x[:take]
    finally:
        np.seterr(**err)


_NBUF = 8
_W = 128

_IDX = _perm_indices(42, _N_SAMPLES, _N_CLUSTERS).astype(np.int32)
_IDX_PAD = np.zeros((_NW, _RPW + 2 * _L), np.int32)
_IDX_PAD[:, :_RPW] = _IDX.reshape(_NW, _RPW)


@functools.partial(
    pl.kernel,
    mesh=plsc.VectorSubcoreMesh(core_axis_name="c", subcore_axis_name="s"),
    compiler_params=pltpu.CompilerParams(needs_layout_passes=False),
    out_type=jax.ShapeDtypeStruct((_D, _N_CLUSTERS), jnp.float32),
    scratch_types=(
        [pltpu.VMEM((_RPW + 2 * _L,), jnp.int32)]
        + [pltpu.VMEM((_D, _W), jnp.float32) for _ in range(_NBUF)]
        + [pltpu.VMEM((_D, _OSLAB), jnp.float32)]
        + [pltpu.SemaphoreType.DMA for _ in range(_NBUF)]
    ),
)
def _gather_rows(idx_hbm, tt_hbm, out_hbm, idx_v, *bufs_oslab_sems):
    bufs = bufs_oslab_sems[:_NBUF]
    oslab_v = bufs_oslab_sems[_NBUF]
    sems = bufs_oslab_sems[_NBUF + 1:]

    wid = lax.axis_index("s") * _NC + lax.axis_index("c")
    pltpu.sync_copy(idx_hbm.at[wid], idx_v)

    lanes = lax.iota(jnp.int32, _L)
    zeros = lanes * 0
    rowg = [lanes + g * _L for g in range(_D // _L)]

    def get_r(p):
        v16 = idx_v[pl.ds((p >> 4) << 4, _L)]
        m = lanes == zeros + (p & 15)
        return jnp.sum(jnp.where(m, v16, zeros))

    def fire(r, b):
        pltpu.async_copy(
            tt_hbm.at[:, pl.ds((r >> 7) * _W, _W)], bufs[b], sems[b])

    def wait(b):
        pltpu.make_async_copy(
            tt_hbm.at[:, pl.ds(0, _W)], bufs[b], sems[b]).wait()

    def extract(b, r, p):
        src = zeros + (r & (_W - 1))
        dst = zeros + (p & (_OSLAB - 1))
        for g in range(_D // _L):
            vals = plsc.load_gather(bufs[b], [rowg[g], src])
            plsc.store_scatter(oslab_v, [rowg[g], dst], vals)

    out0 = wid * _RPW
    for b in range(_NBUF):
        fire(get_r(b), b)

    def body(i, carry):
        p0 = i * _NBUF
        for b in range(_NBUF):
            wait(b)
            extract(b, get_r(p0 + b), p0 + b)
            fire(get_r(p0 + b + _NBUF), b)

            @pl.when(((p0 + b) & (_OSLAB - 1)) == (_OSLAB - 1))
            def _():
                pltpu.sync_copy(
                    oslab_v,
                    out_hbm.at[:, pl.ds(out0 + ((p0 + b) >> 7) * _OSLAB,
                                        _OSLAB)])
        return carry

    lax.fori_loop(0, -(-_RPW // _NBUF), body, 0)
    for b in range(_NBUF):
        wait(b)


def kernel(buffer):
    out_t = _gather_rows(jnp.asarray(_IDX_PAD), buffer.T)
    return out_t.T

# --- scband reference (transcript-rebuilt; emitter-appended) ---
"""Pipeline reference for scband-random-initializer-78125455114498 (READ-ONLY COPY).

The authoritative reference and input builder live on the scoring server;
editing this copy changes nothing except your own understanding.
"""

import jax, jax.numpy as jnp
import numpy as np

N_CLUSTERS = 8192

def setup_inputs(seed: int = 0) -> dict:
    key = jax.random.key(seed)
    buffer = jax.random.normal(key, (1000000, 64), dtype=jnp.float32)
    return {"buffer": buffer}

def reference(buffer):
    # RandomInitializer.forward: permute row indices, take first n_clusters, gather rows.
    n_samples = buffer.shape[0]
    perm_key = jax.random.key(42)
    indices = jax.random.permutation(perm_key, n_samples)[:N_CLUSTERS]
    centroids = jnp.take(buffer, indices, axis=0)
    return centroids

if __name__ == "__main__":
    import jax
    _d = setup_inputs()
    print(jax.jit(kernel)(*tuple(_d.values())))

</pallas_src>

<mosaic_0001>
#map = affine_map<(d0, d1) -> (0, 0)>
module attributes {stable_mosaic.version = 14 : i64} {
  func.func @_gather_rows(%arg0: i32, %arg1: i32, %arg2: memref<32x288xi32, #tpu.memory_space<hbm>>, %arg3: memref<64x1000000xf32, #tpu.memory_space<hbm>>, %arg4: memref<64x8192xf32, #tpu.memory_space<hbm>>, %arg5: memref<288xi32, #tpu.memory_space<vmem>>, %arg6: memref<64x128xf32, #tpu.memory_space<vmem>>, %arg7: memref<64x128xf32, #tpu.memory_space<vmem>>, %arg8: memref<64x128xf32, #tpu.memory_space<vmem>>, %arg9: memref<64x128xf32, #tpu.memory_space<vmem>>, %arg10: memref<64x128xf32, #tpu.memory_space<vmem>>, %arg11: memref<64x128xf32, #tpu.memory_space<vmem>>, %arg12: memref<64x128xf32, #tpu.memory_space<vmem>>, %arg13: memref<64x128xf32, #tpu.memory_space<vmem>>, %arg14: memref<64x128xf32, #tpu.memory_space<vmem>>, %arg15: memref<!tpu.dma_semaphore, #tpu.memory_space<semaphore_mem>>, %arg16: memref<!tpu.dma_semaphore, #tpu.memory_space<semaphore_mem>>, %arg17: memref<!tpu.dma_semaphore, #tpu.memory_space<semaphore_mem>>, %arg18: memref<!tpu.dma_semaphore, #tpu.memory_space<semaphore_mem>>, %arg19: memref<!tpu.dma_semaphore, #tpu.memory_space<semaphore_mem>>, %arg20: memref<!tpu.dma_semaphore, #tpu.memory_space<semaphore_mem>>, %arg21: memref<!tpu.dma_semaphore, #tpu.memory_space<semaphore_mem>>, %arg22: memref<!tpu.dma_semaphore, #tpu.memory_space<semaphore_mem>>) attributes {dimension_semantics = [#tpu.dimension_semantics<core_parallel>, #tpu.dimension_semantics<subcore_parallel>], iteration_bounds = array<i64: 2, 16>, scalar_prefetch = 0 : i64, scratch_operands = 18 : i64, tpu.core_type = #tpu.core_type<sc_vector_subcore>, window_params = [{transform_indices = #map}, {transform_indices = #map}, {transform_indices = #map}]} {
    %mul3A = arith.constant 2 : i32
    %mul3A_0 = arith.muli %arg1, %mul3A : i32
    %add3A = arith.addi %mul3A_0, %arg0 : i32
    "tpu.region"() ({
      %run_scoped3A = tpu.sem_alloc : memref<!tpu.dma_semaphore, #tpu.memory_space<semaphore_mem>>
      %dma_start3A_216 = arith.constant 0 : i32
      %dma_start3A_217 = tpu.memref_slice %arg2[%add3A, %dma_start3A_216] : memref<32x288xi32, #tpu.memory_space<hbm>> -> memref<1x288xi32, #tpu.memory_space<hbm>>
      %dma_start3A_218 = tpu.memref_squeeze %dma_start3A_217 : memref<1x288xi32, #tpu.memory_space<hbm>> -> memref<288xi32, #tpu.memory_space<hbm>>
      %dma_start3A_219 = arith.constant 0 : i32
      %dma_start3A_220 = tpu.memref_slice %arg2[%add3A, %dma_start3A_219] : memref<32x288xi32, #tpu.memory_space<hbm>> -> memref<1x288xi32, #tpu.memory_space<hbm>>
      %dma_start3A_221 = tpu.memref_squeeze %dma_start3A_220 : memref<1x288xi32, #tpu.memory_space<hbm>> -> memref<288xi32, #tpu.memory_space<hbm>>
      tpu.enqueue_dma source(%dma_start3A_221 : memref<288xi32, #tpu.memory_space<hbm>>) target(%arg5 : memref<288xi32, #tpu.memory_space<vmem>>) target_semaphore(%run_scoped3A : memref<!tpu.dma_semaphore, #tpu.memory_space<semaphore_mem>>)
      %dma_wait3A_222 = arith.constant 0 : i32
      %dma_wait3A_223 = tpu.memref_slice %arg2[%add3A, %dma_wait3A_222] : memref<32x288xi32, #tpu.memory_space<hbm>> -> memref<1x288xi32, #tpu.memory_space<hbm>>
      %dma_wait3A_224 = tpu.memref_squeeze %dma_wait3A_223 : memref<1x288xi32, #tpu.memory_space<hbm>> -> memref<288xi32, #tpu.memory_space<hbm>>
      %dma_wait3A_225 = arith.constant 0 : i32
      %dma_wait3A_226 = tpu.memref_slice %arg2[%add3A, %dma_wait3A_225] : memref<32x288xi32, #tpu.memory_space<hbm>> -> memref<1x288xi32, #tpu.memory_space<hbm>>
      %dma_wait3A_227 = tpu.memref_squeeze %dma_wait3A_226 : memref<1x288xi32, #tpu.memory_space<hbm>> -> memref<288xi32, #tpu.memory_space<hbm>>
      tpu.wait_dma2 semaphore(%run_scoped3A : memref<!tpu.dma_semaphore, #tpu.memory_space<semaphore_mem>>) src(%dma_wait3A_227 : memref<288xi32, #tpu.memory_space<hbm>>) dst(%arg5 : memref<288xi32, #tpu.memory_space<vmem>>)
      tpu.yield
    }) : () -> ()
    %iota3A = tpu.iota {dimensions = array<i32: 0>} : vector<16xi32>
    %mul3A_1 = arith.constant 0 : i32
    %mul3A_2 = vector.broadcast %mul3A_1 : i32 to vector<16xi32>
    %mul3A_3 = arith.muli %iota3A, %mul3A_2 : vector<16xi32>
    %add3A_4 = arith.constant 0 : i32
    %add3A_5 = vector.broadcast %add3A_4 : i32 to vector<16xi32>
    %add3A_6 = arith.addi %iota3A, %add3A_5 : vector<16xi32>
    %add3A_7 = arith.constant 16 : i32
    %add3A_8 = vector.broadcast %add3A_7 : i32 to vector<16xi32>
    %add3A_9 = arith.addi %iota3A, %add3A_8 : vector<16xi32>
    %add3A_10 = arith.constant 32 : i32
    %add3A_11 = vector.broadcast %add3A_10 : i32 to vector<16xi32>
    %add3A_12 = arith.addi %iota3A, %add3A_11 : vector<16xi32>
    %add3A_13 = arith.constant 48 : i32
    %add3A_14 = vector.broadcast %add3A_13 : i32 to vector<16xi32>
    %add3A_15 = arith.addi %iota3A, %add3A_14 : vector<16xi32>
    %mul3A_16 = arith.constant 256 : i32
    %mul3A_17 = arith.muli %add3A, %mul3A_16 : i32
    %get3A = arith.constant 0 : index
    %get3A_18 = tpu.vector_load %arg5[%get3A] {strides = array<i32>} : memref<288xi32, #tpu.memory_space<vmem>>, vector<16xi32>,
    %add3A_19 = arith.constant 0 : i32
    %add3A_20 = vector.broadcast %add3A_19 : i32 to vector<16xi32>
    %add3A_21 = arith.addi %mul3A_3, %add3A_20 : vector<16xi32>
    %eq3A = arith.cmpi eq, %iota3A, %add3A_21 : vector<16xi32>
    %select_n3A = arith.select %eq3A, %get3A_18, %mul3A_3 : vector<16xi1>, vector<16xi32>
    %reduce_sum3A = arith.constant true
    %reduce_sum3A_22 = vector.broadcast %reduce_sum3A : i1 to vector<16xi1>
    %reduce_sum3A_23 = tpu.scan <sum>, %select_n3A masked %reduce_sum3A_22 : vector<16xi32>, vector<16xi1> -> vector<16xi32>
    %reduce_sum3A_24 = vector.extract %reduce_sum3A_23[15] : i32 from vector<16xi32>
    %shift_right_arithmetic3A = arith.constant 7 : i32
    %shift_right_arithmetic3A_25 = arith.shrsi %reduce_sum3A_24, %shift_right_arithmetic3A : i32
    %mul3A_26 = arith.constant 128 : i32
    %mul3A_27 = arith.muli %shift_right_arithmetic3A_25, %mul3A_26 : i32
    %dma_start3A = arith.constant 0 : i32
    %dma_start3A_28 = tpu.memref_slice %arg3[%dma_start3A, %mul3A_27] : memref<64x1000000xf32, #tpu.memory_space<hbm>> -> memref<64x128xf32, #tpu.memory_space<hbm>>
    %dma_start3A_29 = arith.constant 0 : i32
    %dma_start3A_30 = tpu.memref_slice %arg3[%dma_start3A_29, %mul3A_27] : memref<64x1000000xf32, #tpu.memory_space<hbm>> -> memref<64x128xf32, #tpu.memory_space<hbm>>
    tpu.enqueue_dma source(%dma_start3A_30 : memref<64x128xf32, #tpu.memory_space<hbm>>) target(%arg6 : memref<64x128xf32, #tpu.memory_space<vmem>>) target_semaphore(%arg15 : memref<!tpu.dma_semaphore, #tpu.memory_space<semaphore_mem>>)
    %get3A_31 = arith.constant 0 : index
    %get3A_32 = tpu.vector_load %arg5[%get3A_31] {strides = array<i32>} : memref<288xi32, #tpu.memory_space<vmem>>, vector<16xi32>,
    %add3A_33 = arith.constant 1 : i32
    %add3A_34 = vector.broadcast %add3A_33 : i32 to vector<16xi32>
    %add3A_35 = arith.addi %mul3A_3, %add3A_34 : vector<16xi32>
    %eq3A_36 = arith.cmpi eq, %iota3A, %add3A_35 : vector<16xi32>
    %select_n3A_37 = arith.select %eq3A_36, %get3A_32, %mul3A_3 : vector<16xi1>, vector<16xi32>
    %reduce_sum3A_38 = arith.constant true
    %reduce_sum3A_39 = vector.broadcast %reduce_sum3A_38 : i1 to vector<16xi1>
    %reduce_sum3A_40 = tpu.scan <sum>, %select_n3A_37 masked %reduce_sum3A_39 : vector<16xi32>, vector<16xi1> -> vector<16xi32>
    %reduce_sum3A_41 = vector.extract %reduce_sum3A_40[15] : i32 from vector<16xi32>
    %shift_right_arithmetic3A_42 = arith.constant 7 : i32
    %shift_right_arithmetic3A_43 = arith.shrsi %reduce_sum3A_41, %shift_right_arithmetic3A_42 : i32
    %mul3A_44 = arith.constant 128 : i32
    %mul3A_45 = arith.muli %shift_right_arithmetic3A_43, %mul3A_44 : i32
    %dma_start3A_46 = arith.constant 0 : i32
    %dma_start3A_47 = tpu.memref_slice %arg3[%dma_start3A_46, %mul3A_45] : memref<64x1000000xf32, #tpu.memory_space<hbm>> -> memref<64x128xf32, #tpu.memory_space<hbm>>
    %dma_start3A_48 = arith.constant 0 : i32
    %dma_start3A_49 = tpu.memref_slice %arg3[%dma_start3A_48, %mul3A_45] : memref<64x1000000xf32, #tpu.memory_space<hbm>> -> memref<64x128xf32, #tpu.memory_space<hbm>>
    tpu.enqueue_dma source(%dma_start3A_49 : memref<64x128xf32, #tpu.memory_space<hbm>>) target(%arg7 : memref<64x128xf32, #tpu.memory_space<vmem>>) target_semaphore(%arg16 : memref<!tpu.dma_semaphore, #tpu.memory_space<semaphore_mem>>)
    %get3A_50 = arith.constant 0 : index
    %get3A_51 = tpu.vector_load %arg5[%get3A_50] {strides = array<i32>} : memref<288xi32, #tpu.memory_space<vmem>>, vector<16xi32>,
    %add3A_52 = arith.constant 2 : i32
    %add3A_53 = vector.broadcast %add3A_52 : i32 to vector<16xi32>
    %add3A_54 = arith.addi %mul3A_3, %add3A_53 : vector<16xi32>
    %eq3A_55 = arith.cmpi eq, %iota3A, %add3A_54 : vector<16xi32>
    %select_n3A_56 = arith.select %eq3A_55, %get3A_51, %mul3A_3 : vector<16xi1>, vector<16xi32>
    %reduce_sum3A_57 = arith.constant true
    %reduce_sum3A_58 = vector.broadcast %reduce_sum3A_57 : i1 to vector<16xi1>
    %reduce_sum3A_59 = tpu.scan <sum>, %select_n3A_56 masked %reduce_sum3A_58 : vector<16xi32>, vector<16xi1> -> vector<16xi32>
    %reduce_sum3A_60 = vector.extract %reduce_sum3A_59[15] : i32 from vector<16xi32>
    %shift_right_arithmetic3A_61 = arith.constant 7 : i32
    %shift_right_arithmetic3A_62 = arith.shrsi %reduce_sum3A_60, %shift_right_arithmetic3A_61 : i32
    %mul3A_63 = arith.constant 128 : i32
    %mul3A_64 = arith.muli %shift_right_arithmetic3A_62, %mul3A_63 : i32
    %dma_start3A_65 = arith.constant 0 : i32
    %dma_start3A_66 = tpu.memref_slice %arg3[%dma_start3A_65, %mul3A_64] : memref<64x1000000xf32, #tpu.memory_space<hbm>> -> memref<64x128xf32, #tpu.memory_space<hbm>>
    %dma_start3A_67 = arith.constant 0 : i32
    %dma_start3A_68 = tpu.memref_slice %arg3[%dma_start3A_67, %mul3A_64] : memref<64x1000000xf32, #tpu.memory_space<hbm>> -> memref<64x128xf32, #tpu.memory_space<hbm>>
    tpu.enqueue_dma source(%dma_start3A_68 : memref<64x128xf32, #tpu.memory_space<hbm>>) target(%arg8 : memref<64x128xf32, #tpu.memory_space<vmem>>) target_semaphore(%arg17 : memref<!tpu.dma_semaphore, #tpu.memory_space<semaphore_mem>>)
    %get3A_69 = arith.constant 0 : index
    %get3A_70 = tpu.vector_load %arg5[%get3A_69] {strides = array<i32>} : memref<288xi32, #tpu.memory_space<vmem>>, vector<16xi32>,
    %add3A_71 = arith.constant 3 : i32
    %add3A_72 = vector.broadcast %add3A_71 : i32 to vector<16xi32>
    %add3A_73 = arith.addi %mul3A_3, %add3A_72 : vector<16xi32>
    %eq3A_74 = arith.cmpi eq, %iota3A, %add3A_73 : vector<16xi32>
    %select_n3A_75 = arith.select %eq3A_74, %get3A_70, %mul3A_3 : vector<16xi1>, vector<16xi32>
    %reduce_sum3A_76 = arith.constant true
    %reduce_sum3A_77 = vector.broadcast %reduce_sum3A_76 : i1 to vector<16xi1>
    %reduce_sum3A_78 = tpu.scan <sum>, %select_n3A_75 masked %reduce_sum3A_77 : vector<16xi32>, vector<16xi1> -> vector<16xi32>
    %reduce_sum3A_79 = vector.extract %reduce_sum3A_78[15] : i32 from vector<16xi32>
    %shift_right_arithmetic3A_80 = arith.constant 7 : i32
    %shift_right_arithmetic3A_81 = arith.shrsi %reduce_sum3A_79, %shift_right_arithmetic3A_80 : i32
    %mul3A_82 = arith.constant 128 : i32
    %mul3A_83 = arith.muli %shift_right_arithmetic3A_81, %mul3A_82 : i32
    %dma_start3A_84 = arith.constant 0 : i32
    %dma_start3A_85 = tpu.memref_slice %arg3[%dma_start3A_84, %mul3A_83] : memref<64x1000000xf32, #tpu.memory_space<hbm>> -> memref<64x128xf32, #tpu.memory_space<hbm>>
    %dma_start3A_86 = arith.constant 0 : i32
    %dma_start3A_87 = tpu.memref_slice %arg3[%dma_start3A_86, %mul3A_83] : memref<64x1000000xf32, #tpu.memory_space<hbm>> -> memref<64x128xf32, #tpu.memory_space<hbm>>
    tpu.enqueue_dma source(%dma_start3A_87 : memref<64x128xf32, #tpu.memory_space<hbm>>) target(%arg9 : memref<64x128xf32, #tpu.memory_space<vmem>>) target_semaphore(%arg18 : memref<!tpu.dma_semaphore, #tpu.memory_space<semaphore_mem>>)
    %get3A_88 = arith.constant 0 : index
    %get3A_89 = tpu.vector_load %arg5[%get3A_88] {strides = array<i32>} : memref<288xi32, #tpu.memory_space<vmem>>, vector<16xi32>,
    %add3A_90 = arith.constant 4 : i32
    %add3A_91 = vector.broadcast %add3A_90 : i32 to vector<16xi32>
    %add3A_92 = arith.addi %mul3A_3, %add3A_91 : vector<16xi32>
    %eq3A_93 = arith.cmpi eq, %iota3A, %add3A_92 : vector<16xi32>
    %select_n3A_94 = arith.select %eq3A_93, %get3A_89, %mul3A_3 : vector<16xi1>, vector<16xi32>
    %reduce_sum3A_95 = arith.constant true
    %reduce_sum3A_96 = vector.broadcast %reduce_sum3A_95 : i1 to vector<16xi1>
    %reduce_sum3A_97 = tpu.scan <sum>, %select_n3A_94 masked %reduce_sum3A_96 : vector<16xi32>, vector<16xi1> -> vector<16xi32>
    %reduce_sum3A_98 = vector.extract %reduce_sum3A_97[15] : i32 from vector<16xi32>
    %shift_right_arithmetic3A_99 = arith.constant 7 : i32
    %shift_right_arithmetic3A_100 = arith.shrsi %reduce_sum3A_98, %shift_right_arithmetic3A_99 : i32
    %mul3A_101 = arith.constant 128 : i32
    %mul3A_102 = arith.muli %shift_right_arithmetic3A_100, %mul3A_101 : i32
    %dma_start3A_103 = arith.constant 0 : i32
    %dma_start3A_104 = tpu.memref_slice %arg3[%dma_start3A_103, %mul3A_102] : memref<64x1000000xf32, #tpu.memory_space<hbm>> -> memref<64x128xf32, #tpu.memory_space<hbm>>
    %dma_start3A_105 = arith.constant 0 : i32
    %dma_start3A_106 = tpu.memref_slice %arg3[%dma_start3A_105, %mul3A_102] : memref<64x1000000xf32, #tpu.memory_space<hbm>> -> memref<64x128xf32, #tpu.memory_space<hbm>>
    tpu.enqueue_dma source(%dma_start3A_106 : memref<64x128xf32, #tpu.memory_space<hbm>>) target(%arg10 : memref<64x128xf32, #tpu.memory_space<vmem>>) target_semaphore(%arg19 : memref<!tpu.dma_semaphore, #tpu.memory_space<semaphore_mem>>)
    %get3A_107 = arith.constant 0 : index
    %get3A_108 = tpu.vector_load %arg5[%get3A_107] {strides = array<i32>} : memref<288xi32, #tpu.memory_space<vmem>>, vector<16xi32>,
    %add3A_109 = arith.constant 5 : i32
    %add3A_110 = vector.broadcast %add3A_109 : i32 to vector<16xi32>
    %add3A_111 = arith.addi %mul3A_3, %add3A_110 : vector<16xi32>
    %eq3A_112 = arith.cmpi eq, %iota3A, %add3A_111 : vector<16xi32>
    %select_n3A_113 = arith.select %eq3A_112, %get3A_108, %mul3A_3 : vector<16xi1>, vector<16xi32>
    %reduce_sum3A_114 = arith.constant true
    %reduce_sum3A_115 = vector.broadcast %reduce_sum3A_114 : i1 to vector<16xi1>
    %reduce_sum3A_116 = tpu.scan <sum>, %select_n3A_113 masked %reduce_sum3A_115 : vector<16xi32>, vector<16xi1> -> vector<16xi32>
    %reduce_sum3A_117 = vector.extract %reduce_sum3A_116[15] : i32 from vector<16xi32>
    %shift_right_arithmetic3A_118 = arith.constant 7 : i32
    %shift_right_arithmetic3A_119 = arith.shrsi %reduce_sum3A_117, %shift_right_arithmetic3A_118 : i32
    %mul3A_120 = arith.constant 128 : i32
    %mul3A_121 = arith.muli %shift_right_arithmetic3A_119, %mul3A_120 : i32
    %dma_start3A_122 = arith.constant 0 : i32
    %dma_start3A_123 = tpu.memref_slice %arg3[%dma_start3A_122, %mul3A_121] : memref<64x1000000xf32, #tpu.memory_space<hbm>> -> memref<64x128xf32, #tpu.memory_space<hbm>>
    %dma_start3A_124 = arith.constant 0 : i32
    %dma_start3A_125 = tpu.memref_slice %arg3[%dma_start3A_124, %mul3A_121] : memref<64x1000000xf32, #tpu.memory_space<hbm>> -> memref<64x128xf32, #tpu.memory_space<hbm>>
    tpu.enqueue_dma source(%dma_start3A_125 : memref<64x128xf32, #tpu.memory_space<hbm>>) target(%arg11 : memref<64x128xf32, #tpu.memory_space<vmem>>) target_semaphore(%arg20 : memref<!tpu.dma_semaphore, #tpu.memory_space<semaphore_mem>>)
    %get3A_126 = arith.constant 0 : index
    %get3A_127 = tpu.vector_load %arg5[%get3A_126] {strides = array<i32>} : memref<288xi32, #tpu.memory_space<vmem>>, vector<16xi32>,
    %add3A_128 = arith.constant 6 : i32
    %add3A_129 = vector.broadcast %add3A_128 : i32 to vector<16xi32>
    %add3A_130 = arith.addi %mul3A_3, %add3A_129 : vector<16xi32>
    %eq3A_131 = arith.cmpi eq, %iota3A, %add3A_130 : vector<16xi32>
    %select_n3A_132 = arith.select %eq3A_131, %get3A_127, %mul3A_3 : vector<16xi1>, vector<16xi32>
    %reduce_sum3A_133 = arith.constant true
    %reduce_sum3A_134 = vector.broadcast %reduce_sum3A_133 : i1 to vector<16xi1>
    %reduce_sum3A_135 = tpu.scan <sum>, %select_n3A_132 masked %reduce_sum3A_134 : vector<16xi32>, vector<16xi1> -> vector<16xi32>
    %reduce_sum3A_136 = vector.extract %reduce_sum3A_135[15] : i32 from vector<16xi32>
    %shift_right_arithmetic3A_137 = arith.constant 7 : i32
    %shift_right_arithmetic3A_138 = arith.shrsi %reduce_sum3A_136, %shift_right_arithmetic3A_137 : i32
    %mul3A_139 = arith.constant 128 : i32
    %mul3A_140 = arith.muli %shift_right_arithmetic3A_138, %mul3A_139 : i32
    %dma_start3A_141 = arith.constant 0 : i32
    %dma_start3A_142 = tpu.memref_slice %arg3[%dma_start3A_141, %mul3A_140] : memref<64x1000000xf32, #tpu.memory_space<hbm>> -> memref<64x128xf32, #tpu.memory_space<hbm>>
    %dma_start3A_143 = arith.constant 0 : i32
    %dma_start3A_144 = tpu.memref_slice %arg3[%dma_start3A_143, %mul3A_140] : memref<64x1000000xf32, #tpu.memory_space<hbm>> -> memref<64x128xf32, #tpu.memory_space<hbm>>
    tpu.enqueue_dma source(%dma_start3A_144 : memref<64x128xf32, #tpu.memory_space<hbm>>) target(%arg12 : memref<64x128xf32, #tpu.memory_space<vmem>>) target_semaphore(%arg21 : memref<!tpu.dma_semaphore, #tpu.memory_space<semaphore_mem>>)
    %get3A_145 = arith.constant 0 : index
    %get3A_146 = tpu.vector_load %arg5[%get3A_145] {strides = array<i32>} : memref<288xi32, #tpu.memory_space<vmem>>, vector<16xi32>,
    %add3A_147 = arith.constant 7 : i32
    %add3A_148 = vector.broadcast %add3A_147 : i32 to vector<16xi32>
    %add3A_149 = arith.addi %mul3A_3, %add3A_148 : vector<16xi32>
    %eq3A_150 = arith.cmpi eq, %iota3A, %add3A_149 : vector<16xi32>
    %select_n3A_151 = arith.select %eq3A_150, %get3A_146, %mul3A_3 : vector<16xi1>, vector<16xi32>
    %reduce_sum3A_152 = arith.constant true
    %reduce_sum3A_153 = vector.broadcast %reduce_sum3A_152 : i1 to vector<16xi1>
    %reduce_sum3A_154 = tpu.scan <sum>, %select_n3A_151 masked %reduce_sum3A_153 : vector<16xi32>, vector<16xi1> -> vector<16xi32>
    %reduce_sum3A_155 = vector.extract %reduce_sum3A_154[15] : i32 from vector<16xi32>
    %shift_right_arithmetic3A_156 = arith.constant 7 : i32
    %shift_right_arithmetic3A_157 = arith.shrsi %reduce_sum3A_155, %shift_right_arithmetic3A_156 : i32
    %mul3A_158 = arith.constant 128 : i32
    %mul3A_159 = arith.muli %shift_right_arithmetic3A_157, %mul3A_158 : i32
    %dma_start3A_160 = arith.constant 0 : i32
    %dma_start3A_161 = tpu.memref_slice %arg3[%dma_start3A_160, %mul3A_159] : memref<64x1000000xf32, #tpu.memory_space<hbm>> -> memref<64x128xf32, #tpu.memory_space<hbm>>
    %dma_start3A_162 = arith.constant 0 : i32
    %dma_start3A_163 = tpu.memref_slice %arg3[%dma_start3A_162, %mul3A_159] : memref<64x1000000xf32, #tpu.memory_space<hbm>> -> memref<64x128xf32, #tpu.memory_space<hbm>>
    tpu.enqueue_dma source(%dma_start3A_163 : memref<64x128xf32, #tpu.memory_space<hbm>>) target(%arg13 : memref<64x128xf32, #tpu.memory_space<vmem>>) target_semaphore(%arg22 : memref<!tpu.dma_semaphore, #tpu.memory_space<semaphore_mem>>)
    %scan3A = arith.constant 0 : i32
    %scan3A_164 = arith.constant 0 : i32
    %scan3A_165 = arith.constant 32 : i32
    %scan3A_166 = arith.addi %scan3A_164, %scan3A_165 : i32
    %scan3A_167 = arith.constant 1 : i32
    scf.for %scan3A_216 = %scan3A_164 to %scan3A_166 step %scan3A_167  : i32 {
      %mul3A_217 = arith.constant 8 : i32
      %mul3A_218 = arith.muli %scan3A_216, %mul3A_217 : i32
      %dma_wait3A_219 = arith.constant 0 : i32
      %dma_wait3A_220 = arith.constant 0 : i32
      %dma_wait3A_221 = tpu.memref_slice %arg3[%dma_wait3A_219, %dma_wait3A_220] : memref<64x1000000xf32, #tpu.memory_space<hbm>> -> memref<64x128xf32, #tpu.memory_space<hbm>>
      %dma_wait3A_222 = arith.constant 0 : i32
      %dma_wait3A_223 = arith.constant 0 : i32
      %dma_wait3A_224 = tpu.memref_slice %arg3[%dma_wait3A_222, %dma_wait3A_223] : memref<64x1000000xf32, #tpu.memory_space<hbm>> -> memref<64x128xf32, #tpu.memory_space<hbm>>
      tpu.wait_dma2 semaphore(%arg15 : memref<!tpu.dma_semaphore, #tpu.memory_space<semaphore_mem>>) src(%dma_wait3A_224 : memref<64x128xf32, #tpu.memory_space<hbm>>) dst(%arg6 : memref<64x128xf32, #tpu.memory_space<vmem>>)
      %add3A_225 = arith.constant 0 : i32
      %add3A_226 = arith.addi %mul3A_218, %add3A_225 : i32
      %shift_right_arithmetic3A_227 = arith.constant 4 : i32
      %shift_right_arithmetic3A_228 = arith.shrsi %add3A_226, %shift_right_arithmetic3A_227 : i32
      %shift_left3A = arith.constant 4 : i32
      %shift_left3A_229 = arith.shli %shift_right_arithmetic3A_228, %shift_left3A : i32
      %get3A_230 = arith.index_cast %shift_left3A_229 : i32 to index
      %get3A_231 = tpu.vector_load %arg5[%get3A_230] {strides = array<i32>} : memref<288xi32, #tpu.memory_space<vmem>>, vector<16xi32>,
      %and3A = arith.constant 15 : i32
      %and3A_232 = arith.andi %add3A_226, %and3A : i32
      %add3A_233 = vector.broadcast %and3A_232 : i32 to vector<16xi32>
      %add3A_234 = arith.addi %mul3A_3, %add3A_233 : vector<16xi32>
      %eq3A_235 = arith.cmpi eq, %iota3A, %add3A_234 : vector<16xi32>
      %select_n3A_236 = arith.select %eq3A_235, %get3A_231, %mul3A_3 : vector<16xi1>, vector<16xi32>
      %reduce_sum3A_237 = arith.constant true
      %reduce_sum3A_238 = vector.broadcast %reduce_sum3A_237 : i1 to vector<16xi1>
      %reduce_sum3A_239 = tpu.scan <sum>, %select_n3A_236 masked %reduce_sum3A_238 : vector<16xi32>, vector<16xi1> -> vector<16xi32>
      %reduce_sum3A_240 = vector.extract %reduce_sum3A_239[15] : i32 from vector<16xi32>
      %add3A_241 = arith.constant 0 : i32
      %add3A_242 = arith.addi %mul3A_218, %add3A_241 : i32
      %and3A_243 = arith.constant 127 : i32
      %and3A_244 = arith.andi %reduce_sum3A_240, %and3A_243 : i32
      %add3A_245 = vector.broadcast %and3A_244 : i32 to vector<16xi32>
      %add3A_246 = arith.addi %mul3A_3, %add3A_245 : vector<16xi32>
      %and3A_247 = arith.constant 127 : i32
      %and3A_248 = arith.andi %add3A_242, %and3A_247 : i32
      %add3A_249 = vector.broadcast %and3A_248 : i32 to vector<16xi32>
      %add3A_250 = arith.addi %mul3A_3, %add3A_249 : vector<16xi32>
      %gather3A = tpu.vector_load_idx %arg6[%add3A_6, %add3A_246] : memref<64x128xf32, #tpu.memory_space<vmem>>[vector<16xi32>, vector<16xi32>], vector<16xf32>,
      tpu.vector_store_idx %arg14[%add3A_6, %add3A_250], %gather3A : memref<64x128xf32, #tpu.memory_space<vmem>>[vector<16xi32>, vector<16xi32>], vector<16xf32>,
      %gather3A_251 = tpu.vector_load_idx %arg6[%add3A_9, %add3A_246] : memref<64x128xf32, #tpu.memory_space<vmem>>[vector<16xi32>, vector<16xi32>], vector<16xf32>,
      tpu.vector_store_idx %arg14[%add3A_9, %add3A_250], %gather3A_251 : memref<64x128xf32, #tpu.memory_space<vmem>>[vector<16xi32>, vector<16xi32>], vector<16xf32>,
      %gather3A_252 = tpu.vector_load_idx %arg6[%add3A_12, %add3A_246] : memref<64x128xf32, #tpu.memory_space<vmem>>[vector<16xi32>, vector<16xi32>], vector<16xf32>,
      tpu.vector_store_idx %arg14[%add3A_12, %add3A_250], %gather3A_252 : memref<64x128xf32, #tpu.memory_space<vmem>>[vector<16xi32>, vector<16xi32>], vector<16xf32>,
      %gather3A_253 = tpu.vector_load_idx %arg6[%add3A_15, %add3A_246] : memref<64x128xf32, #tpu.memory_space<vmem>>[vector<16xi32>, vector<16xi32>], vector<16xf32>,
      tpu.vector_store_idx %arg14[%add3A_15, %add3A_250], %gather3A_253 : memref<64x128xf32, #tpu.memory_space<vmem>>[vector<16xi32>, vector<16xi32>], vector<16xf32>,
      %add3A_254 = arith.constant 0 : i32
      %add3A_255 = arith.addi %mul3A_218, %add3A_254 : i32
      %add3A_256 = arith.constant 8 : i32
      %add3A_257 = arith.addi %add3A_255, %add3A_256 : i32
      %shift_right_arithmetic3A_258 = arith.constant 4 : i32
      %shift_right_arithmetic3A_259 = arith.shrsi %add3A_257, %shift_right_arithmetic3A_258 : i32
      %shift_left3A_260 = arith.constant 4 : i32
      %shift_left3A_261 = arith.shli %shift_right_arithmetic3A_259, %shift_left3A_260 : i32
      %get3A_262 = arith.index_cast %shift_left3A_261 : i32 to index
      %get3A_263 = tpu.vector_load %arg5[%get3A_262] {strides = array<i32>} : memref<288xi32, #tpu.memory_space<vmem>>, vector<16xi32>,
      %and3A_264 = arith.constant 15 : i32
      %and3A_265 = arith.andi %add3A_257, %and3A_264 : i32
      %add3A_266 = vector.broadcast %and3A_265 : i32 to vector<16xi32>
      %add3A_267 = arith.addi %mul3A_3, %add3A_266 : vector<16xi32>
      %eq3A_268 = arith.cmpi eq, %iota3A, %add3A_267 : vector<16xi32>
      %select_n3A_269 = arith.select %eq3A_268, %get3A_263, %mul3A_3 : vector<16xi1>, vector<16xi32>
      %reduce_sum3A_270 = arith.constant true
      %reduce_sum3A_271 = vector.broadcast %reduce_sum3A_270 : i1 to vector<16xi1>
      %reduce_sum3A_272 = tpu.scan <sum>, %select_n3A_269 masked %reduce_sum3A_271 : vector<16xi32>, vector<16xi1> -> vector<16xi32>
      %reduce_sum3A_273 = vector.extract %reduce_sum3A_272[15] : i32 from vector<16xi32>
      %shift_right_arithmetic3A_274 = arith.constant 7 : i32
      %shift_right_arithmetic3A_275 = arith.shrsi %reduce_sum3A_273, %shift_right_arithmetic3A_274 : i32
      %mul3A_276 = arith.constant 128 : i32
      %mul3A_277 = arith.muli %shift_right_arithmetic3A_275, %mul3A_276 : i32
      %dma_start3A_278 = arith.constant 0 : i32
      %dma_start3A_279 = tpu.memref_slice %arg3[%dma_start3A_278, %mul3A_277] : memref<64x1000000xf32, #tpu.memory_space<hbm>> -> memref<64x128xf32, #tpu.memory_space<hbm>>
      %dma_start3A_280 = arith.constant 0 : i32
      %dma_start3A_281 = tpu.memref_slice %arg3[%dma_start3A_280, %mul3A_277] : memref<64x1000000xf32, #tpu.memory_space<hbm>> -> memref<64x128xf32, #tpu.memory_space<hbm>>
      tpu.enqueue_dma source(%dma_start3A_281 : memref<64x128xf32, #tpu.memory_space<hbm>>) target(%arg6 : memref<64x128xf32, #tpu.memory_space<vmem>>) target_semaphore(%arg15 : memref<!tpu.dma_semaphore, #tpu.memory_space<semaphore_mem>>)
      %add3A_282 = arith.constant 0 : i32
      %add3A_283 = arith.addi %mul3A_218, %add3A_282 : i32
      %and3A_284 = arith.constant 127 : i32
      %and3A_285 = arith.andi %add3A_283, %and3A_284 : i32
      %eq3A_286 = arith.constant 127 : i32
      %eq3A_287 = arith.cmpi eq, %and3A_285, %eq3A_286 : i32
      %convert_element_type3A = arith.extui %eq3A_287 : i1 to i32
      %cond3A = arith.constant 0 : i32
      %cond3A_288 = arith.cmpi ne, %convert_element_type3A, %cond3A : i32
      scf.if %cond3A_288 {
        %add3A_814 = arith.constant 0 : i32
        %add3A_815 = arith.addi %mul3A_218, %add3A_814 : i32
        %shift_right_arithmetic3A_816 = arith.constant 7 : i32
        %shift_right_arithmetic3A_817 = arith.shrsi %add3A_815, %shift_right_arithmetic3A_816 : i32
        %mul3A_818 = arith.constant 128 : i32
        %mul3A_819 = arith.muli %shift_right_arithmetic3A_817, %mul3A_818 : i32
        %add3A_820 = arith.addi %mul3A_17, %mul3A_819 : i32
        "tpu.region"() ({
          %run_scoped3A = tpu.sem_alloc : memref<!tpu.dma_semaphore, #tpu.memory_space<semaphore_mem>>
          %dma_start3A_821 = arith.constant 0 : i32
          %dma_start3A_822 = tpu.memref_slice %arg4[%dma_start3A_821, %add3A_820] : memref<64x8192xf32, #tpu.memory_space<hbm>> -> memref<64x128xf32, #tpu.memory_space<hbm>>
          %dma_start3A_823 = arith.constant 0 : i32
          %dma_start3A_824 = tpu.memref_slice %arg4[%dma_start3A_823, %add3A_820] : memref<64x8192xf32, #tpu.memory_space<hbm>> -> memref<64x128xf32, #tpu.memory_space<hbm>>
          tpu.enqueue_dma source(%arg14 : memref<64x128xf32, #tpu.memory_space<vmem>>) target(%dma_start3A_824 : memref<64x128xf32, #tpu.memory_space<hbm>>) target_semaphore(%run_scoped3A : memref<!tpu.dma_semaphore, #tpu.memory_space<semaphore_mem>>)
          %dma_wait3A_825 = arith.constant 0 : i32
          %dma_wait3A_826 = tpu.memref_slice %arg4[%dma_wait3A_825, %add3A_820] : memref<64x8192xf32, #tpu.memory_space<hbm>> -> memref<64x128xf32, #tpu.memory_space<hbm>>
          %dma_wait3A_827 = arith.constant 0 : i32
          %dma_wait3A_828 = tpu.memref_slice %arg4[%dma_wait3A_827, %add3A_820] : memref<64x8192xf32, #tpu.memory_space<hbm>> -> memref<64x128xf32, #tpu.memory_space<hbm>>
          tpu.wait_dma2 semaphore(%run_scoped3A : memref<!tpu.dma_semaphore, #tpu.memory_space<semaphore_mem>>) src(%arg14 : memref<64x128xf32, #tpu.memory_space<vmem>>) dst(%dma_wait3A_828 : memref<64x128xf32, #tpu.memory_space<hbm>>)
          tpu.yield
        }) : () -> ()
      } else {
      }
      %dma_wait3A_289 = arith.constant 0 : i32
      %dma_wait3A_290 = arith.constant 0 : i32
      %dma_wait3A_291 = tpu.memref_slice %arg3[%dma_wait3A_289, %dma_wait3A_290] : memref<64x1000000xf32, #tpu.memory_space<hbm>> -> memref<64x128xf32, #tpu.memory_space<hbm>>
      %dma_wait3A_292 = arith.constant 0 : i32
      %dma_wait3A_293 = arith.constant 0 : i32
      %dma_wait3A_294 = tpu.memref_slice %arg3[%dma_wait3A_292, %dma_wait3A_293] : memref<64x1000000xf32, #tpu.memory_space<hbm>> -> memref<64x128xf32, #tpu.memory_space<hbm>>
      tpu.wait_dma2 semaphore(%arg16 : memref<!tpu.dma_semaphore, #tpu.memory_space<semaphore_mem>>) src(%dma_wait3A_294 : memref<64x128xf32, #tpu.memory_space<hbm>>) dst(%arg7 : memref<64x128xf32, #tpu.memory_space<vmem>>)
      %add3A_295 = arith.constant 1 : i32
      %add3A_296 = arith.addi %mul3A_218, %add3A_295 : i32
      %shift_right_arithmetic3A_297 = arith.constant 4 : i32
      %shift_right_arithmetic3A_298 = arith.shrsi %add3A_296, %shift_right_arithmetic3A_297 : i32
      %shift_left3A_299 = arith.constant 4 : i32
      %shift_left3A_300 = arith.shli %shift_right_arithmetic3A_298, %shift_left3A_299 : i32
      %get3A_301 = arith.index_cast %shift_left3A_300 : i32 to index
      %get3A_302 = tpu.vector_load %arg5[%get3A_301] {strides = array<i32>} : memref<288xi32, #tpu.memory_space<vmem>>, vector<16xi32>,
      %and3A_303 = arith.constant 15 : i32
      %and3A_304 = arith.andi %add3A_296, %and3A_303 : i32
      %add3A_305 = vector.broadcast %and3A_304 : i32 to vector<16xi32>
      %add3A_306 = arith.addi %mul3A_3, %add3A_305 : vector<16xi32>
      %eq3A_307 = arith.cmpi eq, %iota3A, %add3A_306 : vector<16xi32>
      %select_n3A_308 = arith.select %eq3A_307, %get3A_302, %mul3A_3 : vector<16xi1>, vector<16xi32>
      %reduce_sum3A_309 = arith.constant true
      %reduce_sum3A_310 = vector.broadcast %reduce_sum3A_309 : i1 to vector<16xi1>
      %reduce_sum3A_311 = tpu.scan <sum>, %select_n3A_308 masked %reduce_sum3A_310 : vector<16xi32>, vector<16xi1> -> vector<16xi32>
      %reduce_sum3A_312 = vector.extract %reduce_sum3A_311[15] : i32 from vector<16xi32>
      %add3A_313 = arith.constant 1 : i32
      %add3A_314 = arith.addi %mul3A_218, %add3A_313 : i32
      %and3A_315 = arith.constant 127 : i32
      %and3A_316 = arith.andi %reduce_sum3A_312, %and3A_315 : i32
      %add3A_317 = vector.broadcast %and3A_316 : i32 to vector<16xi32>
      %add3A_318 = arith.addi %mul3A_3, %add3A_317 : vector<16xi32>
      %and3A_319 = arith.constant 127 : i32
      %and3A_320 = arith.andi %add3A_314, %and3A_319 : i32
      %add3A_321 = vector.broadcast %and3A_320 : i32 to vector<16xi32>
      %add3A_322 = arith.addi %mul3A_3, %add3A_321 : vector<16xi32>
      %gather3A_323 = tpu.vector_load_idx %arg7[%add3A_6, %add3A_318] : memref<64x128xf32, #tpu.memory_space<vmem>>[vector<16xi32>, vector<16xi32>], vector<16xf32>,
      tpu.vector_store_idx %arg14[%add3A_6, %add3A_322], %gather3A_323 : memref<64x128xf32, #tpu.memory_space<vmem>>[vector<16xi32>, vector<16xi32>], vector<16xf32>,
      %gather3A_324 = tpu.vector_load_idx %arg7[%add3A_9, %add3A_318] : memref<64x128xf32, #tpu.memory_space<vmem>>[vector<16xi32>, vector<16xi32>], vector<16xf32>,
      tpu.vector_store_idx %arg14[%add3A_9, %add3A_322], %gather3A_324 : memref<64x128xf32, #tpu.memory_space<vmem>>[vector<16xi32>, vector<16xi32>], vector<16xf32>,
      %gather3A_325 = tpu.vector_load_idx %arg7[%add3A_12, %add3A_318] : memref<64x128xf32, #tpu.memory_space<vmem>>[vector<16xi32>, vector<16xi32>], vector<16xf32>,
      tpu.vector_store_idx %arg14[%add3A_12, %add3A_322], %gather3A_325 : memref<64x128xf32, #tpu.memory_space<vmem>>[vector<16xi32>, vector<16xi32>], vector<16xf32>,
      %gather3A_326 = tpu.vector_load_idx %arg7[%add3A_15, %add3A_318] : memref<64x128xf32, #tpu.memory_space<vmem>>[vector<16xi32>, vector<16xi32>], vector<16xf32>,
      tpu.vector_store_idx %arg14[%add3A_15, %add3A_322], %gather3A_326 : memref<64x128xf32, #tpu.memory_space<vmem>>[vector<16xi32>, vector<16xi32>], vector<16xf32>,
      %add3A_327 = arith.constant 1 : i32
      %add3A_328 = arith.addi %mul3A_218, %add3A_327 : i32
      %add3A_329 = arith.constant 8 : i32
      %add3A_330 = arith.addi %add3A_328, %add3A_329 : i32
      %shift_right_arithmetic3A_331 = arith.constant 4 : i32
      %shift_right_arithmetic3A_332 = arith.shrsi %add3A_330, %shift_right_arithmetic3A_331 : i32
      %shift_left3A_333 = arith.constant 4 : i32
      %shift_left3A_334 = arith.shli %shift_right_arithmetic3A_332, %shift_left3A_333 : i32
      %get3A_335 = arith.index_cast %shift_left3A_334 : i32 to index
      %get3A_336 = tpu.vector_load %arg5[%get3A_335] {strides = array<i32>} : memref<288xi32, #tpu.memory_space<vmem>>, vector<16xi32>,
      %and3A_337 = arith.constant 15 : i32
      %and3A_338 = arith.andi %add3A_330, %and3A_337 : i32
      %add3A_339 = vector.broadcast %and3A_338 : i32 to vector<16xi32>
      %add3A_340 = arith.addi %mul3A_3, %add3A_339 : vector<16xi32>
      %eq3A_341 = arith.cmpi eq, %iota3A, %add3A_340 : vector<16xi32>
      %select_n3A_342 = arith.select %eq3A_341, %get3A_336, %mul3A_3 : vector<16xi1>, vector<16xi32>
      %reduce_sum3A_343 = arith.constant true
      %reduce_sum3A_344 = vector.broadcast %reduce_sum3A_343 : i1 to vector<16xi1>
      %reduce_sum3A_345 = tpu.scan <sum>, %select_n3A_342 masked %reduce_sum3A_344 : vector<16xi32>, vector<16xi1> -> vector<16xi32>
      %reduce_sum3A_346 = vector.extract %reduce_sum3A_345[15] : i32 from vector<16xi32>
      %shift_right_arithmetic3A_347 = arith.constant 7 : i32
      %shift_right_arithmetic3A_348 = arith.shrsi %reduce_sum3A_346, %shift_right_arithmetic3A_347 : i32
      %mul3A_349 = arith.constant 128 : i32
      %mul3A_350 = arith.muli %shift_right_arithmetic3A_348, %mul3A_349 : i32
      %dma_start3A_351 = arith.constant 0 : i32
      %dma_start3A_352 = tpu.memref_slice %arg3[%dma_start3A_351, %mul3A_350] : memref<64x1000000xf32, #tpu.memory_space<hbm>> -> memref<64x128xf32, #tpu.memory_space<hbm>>
      %dma_start3A_353 = arith.constant 0 : i32
      %dma_start3A_354 = tpu.memref_slice %arg3[%dma_start3A_353, %mul3A_350] : memref<64x1000000xf32, #tpu.memory_space<hbm>> -> memref<64x128xf32, #tpu.memory_space<hbm>>
      tpu.enqueue_dma source(%dma_start3A_354 : memref<64x128xf32, #tpu.memory_space<hbm>>) target(%arg7 : memref<64x128xf32, #tpu.memory_space<vmem>>) target_semaphore(%arg16 : memref<!tpu.dma_semaphore, #tpu.memory_space<semaphore_mem>>)
      %add3A_355 = arith.constant 1 : i32
      %add3A_356 = arith.addi %mul3A_218, %add3A_355 : i32
      %and3A_357 = arith.constant 127 : i32
      %and3A_358 = arith.andi %add3A_356, %and3A_357 : i32
      %eq3A_359 = arith.constant 127 : i32
      %eq3A_360 = arith.cmpi eq, %and3A_358, %eq3A_359 : i32
      %convert_element_type3A_361 = arith.extui %eq3A_360 : i1 to i32
      %cond3A_362 = arith.constant 0 : i32
      %cond3A_363 = arith.cmpi ne, %convert_element_type3A_361, %cond3A_362 : i32
      scf.if %cond3A_363 {
        %add3A_814 = arith.constant 1 : i32
        %add3A_815 = arith.addi %mul3A_218, %add3A_814 : i32
        %shift_right_arithmetic3A_816 = arith.constant 7 : i32
        %shift_right_arithmetic3A_817 = arith.shrsi %add3A_815, %shift_right_arithmetic3A_816 : i32
        %mul3A_818 = arith.constant 128 : i32
        %mul3A_819 = arith.muli %shift_right_arithmetic3A_817, %mul3A_818 : i32
        %add3A_820 = arith.addi %mul3A_17, %mul3A_819 : i32
        "tpu.region"() ({
          %run_scoped3A = tpu.sem_alloc : memref<!tpu.dma_semaphore, #tpu.memory_space<semaphore_mem>>
          %dma_start3A_821 = arith.constant 0 : i32
          %dma_start3A_822 = tpu.memref_slice %arg4[%dma_start3A_821, %add3A_820] : memref<64x8192xf32, #tpu.memory_space<hbm>> -> memref<64x128xf32, #tpu.memory_space<hbm>>
          %dma_start3A_823 = arith.constant 0 : i32
          %dma_start3A_824 = tpu.memref_slice %arg4[%dma_start3A_823, %add3A_820] : memref<64x8192xf32, #tpu.memory_space<hbm>> -> memref<64x128xf32, #tpu.memory_space<hbm>>
          tpu.enqueue_dma source(%arg14 : memref<64x128xf32, #tpu.memory_space<vmem>>) target(%dma_start3A_824 : memref<64x128xf32, #tpu.memory_space<hbm>>) target_semaphore(%run_scoped3A : memref<!tpu.dma_semaphore, #tpu.memory_space<semaphore_mem>>)
          %dma_wait3A_825 = arith.constant 0 : i32
          %dma_wait3A_826 = tpu.memref_slice %arg4[%dma_wait3A_825, %add3A_820] : memref<64x8192xf32, #tpu.memory_space<hbm>> -> memref<64x128xf32, #tpu.memory_space<hbm>>
          %dma_wait3A_827 = arith.constant 0 : i32
          %dma_wait3A_828 = tpu.memref_slice %arg4[%dma_wait3A_827, %add3A_820] : memref<64x8192xf32, #tpu.memory_space<hbm>> -> memref<64x128xf32, #tpu.memory_space<hbm>>
          tpu.wait_dma2 semaphore(%run_scoped3A : memref<!tpu.dma_semaphore, #tpu.memory_space<semaphore_mem>>) src(%arg14 : memref<64x128xf32, #tpu.memory_space<vmem>>) dst(%dma_wait3A_828 : memref<64x128xf32, #tpu.memory_space<hbm>>)
          tpu.yield
        }) : () -> ()
      } else {
      }
      %dma_wait3A_364 = arith.constant 0 : i32
      %dma_wait3A_365 = arith.constant 0 : i32
      %dma_wait3A_366 = tpu.memref_slice %arg3[%dma_wait3A_364, %dma_wait3A_365] : memref<64x1000000xf32, #tpu.memory_space<hbm>> -> memref<64x128xf32, #tpu.memory_space<hbm>>
      %dma_wait3A_367 = arith.constant 0 : i32
      %dma_wait3A_368 = arith.constant 0 : i32
      %dma_wait3A_369 = tpu.memref_slice %arg3[%dma_wait3A_367, %dma_wait3A_368] : memref<64x1000000xf32, #tpu.memory_space<hbm>> -> memref<64x128xf32, #tpu.memory_space<hbm>>
      tpu.wait_dma2 semaphore(%arg17 : memref<!tpu.dma_semaphore, #tpu.memory_space<semaphore_mem>>) src(%dma_wait3A_369 : memref<64x128xf32, #tpu.memory_space<hbm>>) dst(%arg8 : memref<64x128xf32, #tpu.memory_space<vmem>>)
      %add3A_370 = arith.constant 2 : i32
      %add3A_371 = arith.addi %mul3A_218, %add3A_370 : i32
      %shift_right_arithmetic3A_372 = arith.constant 4 : i32
      %shift_right_arithmetic3A_373 = arith.shrsi %add3A_371, %shift_right_arithmetic3A_372 : i32
      %shift_left3A_374 = arith.constant 4 : i32
      %shift_left3A_375 = arith.shli %shift_right_arithmetic3A_373, %shift_left3A_374 : i32
      %get3A_376 = arith.index_cast %shift_left3A_375 : i32 to index
      %get3A_377 = tpu.vector_load %arg5[%get3A_376] {strides = array<i32>} : memref<288xi32, #tpu.memory_space<vmem>>, vector<16xi32>,
      %and3A_378 = arith.constant 15 : i32
      %and3A_379 = arith.andi %add3A_371, %and3A_378 : i32
      %add3A_380 = vector.broadcast %and3A_379 : i32 to vector<16xi32>
      %add3A_381 = arith.addi %mul3A_3, %add3A_380 : vector<16xi32>
      %eq3A_382 = arith.cmpi eq, %iota3A, %add3A_381 : vector<16xi32>
      %select_n3A_383 = arith.select %eq3A_382, %get3A_377, %mul3A_3 : vector<16xi1>, vector<16xi32>
      %reduce_sum3A_384 = arith.constant true
      %reduce_sum3A_385 = vector.broadcast %reduce_sum3A_384 : i1 to vector<16xi1>
      %reduce_sum3A_386 = tpu.scan <sum>, %select_n3A_383 masked %reduce_sum3A_385 : vector<16xi32>, vector<16xi1> -> vector<16xi32>
      %reduce_sum3A_387 = vector.extract %reduce_sum3A_386[15] : i32 from vector<16xi32>
      %add3A_388 = arith.constant 2 : i32
      %add3A_389 = arith.addi %mul3A_218, %add3A_388 : i32
      %and3A_390 = arith.constant 127 : i32
      %and3A_391 = arith.andi %reduce_sum3A_387, %and3A_390 : i32
      %add3A_392 = vector.broadcast %and3A_391 : i32 to vector<16xi32>
      %add3A_393 = arith.addi %mul3A_3, %add3A_392 : vector<16xi32>
      %and3A_394 = arith.constant 127 : i32
      %and3A_395 = arith.andi %add3A_389, %and3A_394 : i32
      %add3A_396 = vector.broadcast %and3A_395 : i32 to vector<16xi32>
      %add3A_397 = arith.addi %mul3A_3, %add3A_396 : vector<16xi32>
      %gather3A_398 = tpu.vector_load_idx %arg8[%add3A_6, %add3A_393] : memref<64x128xf32, #tpu.memory_space<vmem>>[vector<16xi32>, vector<16xi32>], vector<16xf32>,
      tpu.vector_store_idx %arg14[%add3A_6, %add3A_397], %gather3A_398 : memref<64x128xf32, #tpu.memory_space<vmem>>[vector<16xi32>, vector<16xi32>], vector<16xf32>,
      %gather3A_399 = tpu.vector_load_idx %arg8[%add3A_9, %add3A_393] : memref<64x128xf32, #tpu.memory_space<vmem>>[vector<16xi32>, vector<16xi32>], vector<16xf32>,
      tpu.vector_store_idx %arg14[%add3A_9, %add3A_397], %gather3A_399 : memref<64x128xf32, #tpu.memory_space<vmem>>[vector<16xi32>, vector<16xi32>], vector<16xf32>,
      %gather3A_400 = tpu.vector_load_idx %arg8[%add3A_12, %add3A_393] : memref<64x128xf32, #tpu.memory_space<vmem>>[vector<16xi32>, vector<16xi32>], vector<16xf32>,
      tpu.vector_store_idx %arg14[%add3A_12, %add3A_397], %gather3A_400 : memref<64x128xf32, #tpu.memory_space<vmem>>[vector<16xi32>, vector<16xi32>], vector<16xf32>,
      %gather3A_401 = tpu.vector_load_idx %arg8[%add3A_15, %add3A_393] : memref<64x128xf32, #tpu.memory_space<vmem>>[vector<16xi32>, vector<16xi32>], vector<16xf32>,
      tpu.vector_store_idx %arg14[%add3A_15, %add3A_397], %gather3A_401 : memref<64x128xf32, #tpu.memory_space<vmem>>[vector<16xi32>, vector<16xi32>], vector<16xf32>,
      %add3A_402 = arith.constant 2 : i32
      %add3A_403 = arith.addi %mul3A_218, %add3A_402 : i32
      %add3A_404 = arith.constant 8 : i32
      %add3A_405 = arith.addi %add3A_403, %add3A_404 : i32
      %shift_right_arithmetic3A_406 = arith.constant 4 : i32
      %shift_right_arithmetic3A_407 = arith.shrsi %add3A_405, %shift_right_arithmetic3A_406 : i32
      %shift_left3A_408 = arith.constant 4 : i32
      %shift_left3A_409 = arith.shli %shift_right_arithmetic3A_407, %shift_left3A_408 : i32
      %get3A_410 = arith.index_cast %shift_left3A_409 : i32 to index
      %get3A_411 = tpu.vector_load %arg5[%get3A_410] {strides = array<i32>} : memref<288xi32, #tpu.memory_space<vmem>>, vector<16xi32>,
      %and3A_412 = arith.constant 15 : i32
      %and3A_413 = arith.andi %add3A_405, %and3A_412 : i32
      %add3A_414 = vector.broadcast %and3A_413 : i32 to vector<16xi32>
      %add3A_415 = arith.addi %mul3A_3, %add3A_414 : vector<16xi32>
      %eq3A_416 = arith.cmpi eq, %iota3A, %add3A_415 : vector<16xi32>
      %select_n3A_417 = arith.select %eq3A_416, %get3A_411, %mul3A_3 : vector<16xi1>, vector<16xi32>
      %reduce_sum3A_418 = arith.constant true
      %reduce_sum3A_419 = vector.broadcast %reduce_sum3A_418 : i1 to vector<16xi1>
      %reduce_sum3A_420 = tpu.scan <sum>, %select_n3A_417 masked %reduce_sum3A_419 : vector<16xi32>, vector<16xi1> -> vector<16xi32>
      %reduce_sum3A_421 = vector.extract %reduce_sum3A_420[15] : i32 from vector<16xi32>
      %shift_right_arithmetic3A_422 = arith.constant 7 : i32
      %shift_right_arithmetic3A_423 = arith.shrsi %reduce_sum3A_421, %shift_right_arithmetic3A_422 : i32
      %mul3A_424 = arith.constant 128 : i32
      %mul3A_425 = arith.muli %shift_right_arithmetic3A_423, %mul3A_424 : i32
      %dma_start3A_426 = arith.constant 0 : i32
      %dma_start3A_427 = tpu.memref_slice %arg3[%dma_start3A_426, %mul3A_425] : memref<64x1000000xf32, #tpu.memory_space<hbm>> -> memref<64x128xf32, #tpu.memory_space<hbm>>
      %dma_start3A_428 = arith.constant 0 : i32
      %dma_start3A_429 = tpu.memref_slice %arg3[%dma_start3A_428, %mul3A_425] : memref<64x1000000xf32, #tpu.memory_space<hbm>> -> memref<64x128xf32, #tpu.memory_space<hbm>>
      tpu.enqueue_dma source(%dma_start3A_429 : memref<64x128xf32, #tpu.memory_space<hbm>>) target(%arg8 : memref<64x128xf32, #tpu.memory_space<vmem>>) target_semaphore(%arg17 : memref<!tpu.dma_semaphore, #tpu.memory_space<semaphore_mem>>)
      %add3A_430 = arith.constant 2 : i32
      %add3A_431 = arith.addi %mul3A_218, %add3A_430 : i32
      %and3A_432 = arith.constant 127 : i32
      %and3A_433 = arith.andi %add3A_431, %and3A_432 : i32
      %eq3A_434 = arith.constant 127 : i32
      %eq3A_435 = arith.cmpi eq, %and3A_433, %eq3A_434 : i32
      %convert_element_type3A_436 = arith.extui %eq3A_435 : i1 to i32
      %cond3A_437 = arith.constant 0 : i32
      %cond3A_438 = arith.cmpi ne, %convert_element_type3A_436, %cond3A_437 : i32
      scf.if %cond3A_438 {
        %add3A_814 = arith.constant 2 : i32
        %add3A_815 = arith.addi %mul3A_218, %add3A_814 : i32
        %shift_right_arithmetic3A_816 = arith.constant 7 : i32
        %shift_right_arithmetic3A_817 = arith.shrsi %add3A_815, %shift_right_arithmetic3A_816 : i32
        %mul3A_818 = arith.constant 128 : i32
        %mul3A_819 = arith.muli %shift_right_arithmetic3A_817, %mul3A_818 : i32
        %add3A_820 = arith.addi %mul3A_17, %mul3A_819 : i32
        "tpu.region"() ({
          %run_scoped3A = tpu.sem_alloc : memref<!tpu.dma_semaphore, #tpu.memory_space<semaphore_mem>>
          %dma_start3A_821 = arith.constant 0 : i32
          %dma_start3A_822 = tpu.memref_slice %arg4[%dma_start3A_821, %add3A_820] : memref<64x8192xf32, #tpu.memory_space<hbm>> -> memref<64x128xf32, #tpu.memory_space<hbm>>
          %dma_start3A_823 = arith.constant 0 : i32
          %dma_start3A_824 = tpu.memref_slice %arg4[%dma_start3A_823, %add3A_820] : memref<64x8192xf32, #tpu.memory_space<hbm>> -> memref<64x128xf32, #tpu.memory_space<hbm>>
          tpu.enqueue_dma source(%arg14 : memref<64x128xf32, #tpu.memory_space<vmem>>) target(%dma_start3A_824 : memref<64x128xf32, #tpu.memory_space<hbm>>) target_semaphore(%run_scoped3A : memref<!tpu.dma_semaphore, #tpu.memory_space<semaphore_mem>>)
          %dma_wait3A_825 = arith.constant 0 : i32
          %dma_wait3A_826 = tpu.memref_slice %arg4[%dma_wait3A_825, %add3A_820] : memref<64x8192xf32, #tpu.memory_space<hbm>> -> memref<64x128xf32, #tpu.memory_space<hbm>>
          %dma_wait3A_827 = arith.constant 0 : i32
          %dma_wait3A_828 = tpu.memref_slice %arg4[%dma_wait3A_827, %add3A_820] : memref<64x8192xf32, #tpu.memory_space<hbm>> -> memref<64x128xf32, #tpu.memory_space<hbm>>
          tpu.wait_dma2 semaphore(%run_scoped3A : memref<!tpu.dma_semaphore, #tpu.memory_space<semaphore_mem>>) src(%arg14 : memref<64x128xf32, #tpu.memory_space<vmem>>) dst(%dma_wait3A_828 : memref<64x128xf32, #tpu.memory_space<hbm>>)
          tpu.yield
        }) : () -> ()
      } else {
      }
      %dma_wait3A_439 = arith.constant 0 : i32
      %dma_wait3A_440 = arith.constant 0 : i32
      %dma_wait3A_441 = tpu.memref_slice %arg3[%dma_wait3A_439, %dma_wait3A_440] : memref<64x1000000xf32, #tpu.memory_space<hbm>> -> memref<64x128xf32, #tpu.memory_space<hbm>>
      %dma_wait3A_442 = arith.constant 0 : i32
      %dma_wait3A_443 = arith.constant 0 : i32
      %dma_wait3A_444 = tpu.memref_slice %arg3[%dma_wait3A_442, %dma_wait3A_443] : memref<64x1000000xf32, #tpu.memory_space<hbm>> -> memref<64x128xf32, #tpu.memory_space<hbm>>
      tpu.wait_dma2 semaphore(%arg18 : memref<!tpu.dma_semaphore, #tpu.memory_space<semaphore_mem>>) src(%dma_wait3A_444 : memref<64x128xf32, #tpu.memory_space<hbm>>) dst(%arg9 : memref<64x128xf32, #tpu.memory_space<vmem>>)
      %add3A_445 = arith.constant 3 : i32
      %add3A_446 = arith.addi %mul3A_218, %add3A_445 : i32
      %shift_right_arithmetic3A_447 = arith.constant 4 : i32
      %shift_right_arithmetic3A_448 = arith.shrsi %add3A_446, %shift_right_arithmetic3A_447 : i32
      %shift_left3A_449 = arith.constant 4 : i32
      %shift_left3A_450 = arith.shli %shift_right_arithmetic3A_448, %shift_left3A_449 : i32
      %get3A_451 = arith.index_cast %shift_left3A_450 : i32 to index
      %get3A_452 = tpu.vector_load %arg5[%get3A_451] {strides = array<i32>} : memref<288xi32, #tpu.memory_space<vmem>>, vector<16xi32>,
      %and3A_453 = arith.constant 15 : i32
      %and3A_454 = arith.andi %add3A_446, %and3A_453 : i32
      %add3A_455 = vector.broadcast %and3A_454 : i32 to vector<16xi32>
      %add3A_456 = arith.addi %mul3A_3, %add3A_455 : vector<16xi32>
      %eq3A_457 = arith.cmpi eq, %iota3A, %add3A_456 : vector<16xi32>
      %select_n3A_458 = arith.select %eq3A_457, %get3A_452, %mul3A_3 : vector<16xi1>, vector<16xi32>
      %reduce_sum3A_459 = arith.constant true
      %reduce_sum3A_460 = vector.broadcast %reduce_sum3A_459 : i1 to vector<16xi1>
      %reduce_sum3A_461 = tpu.scan <sum>, %select_n3A_458 masked %reduce_sum3A_460 : vector<16xi32>, vector<16xi1> -> vector<16xi32>
      %reduce_sum3A_462 = vector.extract %reduce_sum3A_461[15] : i32 from vector<16xi32>
      %add3A_463 = arith.constant 3 : i32
      %add3A_464 = arith.addi %mul3A_218, %add3A_463 : i32
      %and3A_465 = arith.constant 127 : i32
      %and3A_466 = arith.andi %reduce_sum3A_462, %and3A_465 : i32
      %add3A_467 = vector.broadcast %and3A_466 : i32 to vector<16xi32>
      %add3A_468 = arith.addi %mul3A_3, %add3A_467 : vector<16xi32>
      %and3A_469 = arith.constant 127 : i32
      %and3A_470 = arith.andi %add3A_464, %and3A_469 : i32
      %add3A_471 = vector.broadcast %and3A_470 : i32 to vector<16xi32>
      %add3A_472 = arith.addi %mul3A_3, %add3A_471 : vector<16xi32>
      %gather3A_473 = tpu.vector_load_idx %arg9[%add3A_6, %add3A_468] : memref<64x128xf32, #tpu.memory_space<vmem>>[vector<16xi32>, vector<16xi32>], vector<16xf32>,
      tpu.vector_store_idx %arg14[%add3A_6, %add3A_472], %gather3A_473 : memref<64x128xf32, #tpu.memory_space<vmem>>[vector<16xi32>, vector<16xi32>], vector<16xf32>,
      %gather3A_474 = tpu.vector_load_idx %arg9[%add3A_9, %add3A_468] : memref<64x128xf32, #tpu.memory_space<vmem>>[vector<16xi32>, vector<16xi32>], vector<16xf32>,
      tpu.vector_store_idx %arg14[%add3A_9, %add3A_472], %gather3A_474 : memref<64x128xf32, #tpu.memory_space<vmem>>[vector<16xi32>, vector<16xi32>], vector<16xf32>,
      %gather3A_475 = tpu.vector_load_idx %arg9[%add3A_12, %add3A_468] : memref<64x128xf32, #tpu.memory_space<vmem>>[vector<16xi32>, vector<16xi32>], vector<16xf32>,
      tpu.vector_store_idx %arg14[%add3A_12, %add3A_472], %gather3A_475 : memref<64x128xf32, #tpu.memory_space<vmem>>[vector<16xi32>, vector<16xi32>], vector<16xf32>,
      %gather3A_476 = tpu.vector_load_idx %arg9[%add3A_15, %add3A_468] : memref<64x128xf32, #tpu.memory_space<vmem>>[vector<16xi32>, vector<16xi32>], vector<16xf32>,
      tpu.vector_store_idx %arg14[%add3A_15, %add3A_472], %gather3A_476 : memref<64x128xf32, #tpu.memory_space<vmem>>[vector<16xi32>, vector<16xi32>], vector<16xf32>,
      %add3A_477 = arith.constant 3 : i32
      %add3A_478 = arith.addi %mul3A_218, %add3A_477 : i32
      %add3A_479 = arith.constant 8 : i32
      %add3A_480 = arith.addi %add3A_478, %add3A_479 : i32
      %shift_right_arithmetic3A_481 = arith.constant 4 : i32
      %shift_right_arithmetic3A_482 = arith.shrsi %add3A_480, %shift_right_arithmetic3A_481 : i32
      %shift_left3A_483 = arith.constant 4 : i32
      %shift_left3A_484 = arith.shli %shift_right_arithmetic3A_482, %shift_left3A_483 : i32
      %get3A_485 = arith.index_cast %shift_left3A_484 : i32 to index
      %get3A_486 = tpu.vector_load %arg5[%get3A_485] {strides = array<i32>} : memref<288xi32, #tpu.memory_space<vmem>>, vector<16xi32>,
      %and3A_487 = arith.constant 15 : i32
      %and3A_488 = arith.andi %add3A_480, %and3A_487 : i32
      %add3A_489 = vector.broadcast %and3A_488 : i32 to vector<16xi32>
      %add3A_490 = arith.addi %mul3A_3, %add3A_489 : vector<16xi32>
      %eq3A_491 = arith.cmpi eq, %iota3A, %add3A_490 : vector<16xi32>
      %select_n3A_492 = arith.select %eq3A_491, %get3A_486, %mul3A_3 : vector<16xi1>, vector<16xi32>
      %reduce_sum3A_493 = arith.constant true
      %reduce_sum3A_494 = vector.broadcast %reduce_sum3A_493 : i1 to vector<16xi1>
      %reduce_sum3A_495 = tpu.scan <sum>, %select_n3A_492 masked %reduce_sum3A_494 : vector<16xi32>, vector<16xi1> -> vector<16xi32>
      %reduce_sum3A_496 = vector.extract %reduce_sum3A_495[15] : i32 from vector<16xi32>
      %shift_right_arithmetic3A_497 = arith.constant 7 : i32
      %shift_right_arithmetic3A_498 = arith.shrsi %reduce_sum3A_496, %shift_right_arithmetic3A_497 : i32
      %mul3A_499 = arith.constant 128 : i32
      %mul3A_500 = arith.muli %shift_right_arithmetic3A_498, %mul3A_499 : i32
      %dma_start3A_501 = arith.constant 0 : i32
      %dma_start3A_502 = tpu.memref_slice %arg3[%dma_start3A_501, %mul3A_500] : memref<64x1000000xf32, #tpu.memory_space<hbm>> -> memref<64x128xf32, #tpu.memory_space<hbm>>
      %dma_start3A_503 = arith.constant 0 : i32
      %dma_start3A_504 = tpu.memref_slice %arg3[%dma_start3A_503, %mul3A_500] : memref<64x1000000xf32, #tpu.memory_space<hbm>> -> memref<64x128xf32, #tpu.memory_space<hbm>>
      tpu.enqueue_dma source(%dma_start3A_504 : memref<64x128xf32, #tpu.memory_space<hbm>>) target(%arg9 : memref<64x128xf32, #tpu.memory_space<vmem>>) target_semaphore(%arg18 : memref<!tpu.dma_semaphore, #tpu.memory_space<semaphore_mem>>)
      %add3A_505 = arith.constant 3 : i32
      %add3A_506 = arith.addi %mul3A_218, %add3A_505 : i32
      %and3A_507 = arith.constant 127 : i32
      %and3A_508 = arith.andi %add3A_506, %and3A_507 : i32
      %eq3A_509 = arith.constant 127 : i32
      %eq3A_510 = arith.cmpi eq, %and3A_508, %eq3A_509 : i32
      %convert_element_type3A_511 = arith.extui %eq3A_510 : i1 to i32
      %cond3A_512 = arith.constant 0 : i32
      %cond3A_513 = arith.cmpi ne, %convert_element_type3A_511, %cond3A_512 : i32
      scf.if %cond3A_513 {
        %add3A_814 = arith.constant 3 : i32
        %add3A_815 = arith.addi %mul3A_218, %add3A_814 : i32
        %shift_right_arithmetic3A_816 = arith.constant 7 : i32
        %shift_right_arithmetic3A_817 = arith.shrsi %add3A_815, %shift_right_arithmetic3A_816 : i32
        %mul3A_818 = arith.constant 128 : i32
        %mul3A_819 = arith.muli %shift_right_arithmetic3A_817, %mul3A_818 : i32
        %add3A_820 = arith.addi %mul3A_17, %mul3A_819 : i32
        "tpu.region"() ({
          %run_scoped3A = tpu.sem_alloc : memref<!tpu.dma_semaphore, #tpu.memory_space<semaphore_mem>>
          %dma_start3A_821 = arith.constant 0 : i32
          %dma_start3A_822 = tpu.memref_slice %arg4[%dma_start3A_821, %add3A_820] : memref<64x8192xf32, #tpu.memory_space<hbm>> -> memref<64x128xf32, #tpu.memory_space<hbm>>
          %dma_start3A_823 = arith.constant 0 : i32
          %dma_start3A_824 = tpu.memref_slice %arg4[%dma_start3A_823, %add3A_820] : memref<64x8192xf32, #tpu.memory_space<hbm>> -> memref<64x128xf32, #tpu.memory_space<hbm>>
          tpu.enqueue_dma source(%arg14 : memref<64x128xf32, #tpu.memory_space<vmem>>) target(%dma_start3A_824 : memref<64x128xf32, #tpu.memory_space<hbm>>) target_semaphore(%run_scoped3A : memref<!tpu.dma_semaphore, #tpu.memory_space<semaphore_mem>>)
          %dma_wait3A_825 = arith.constant 0 : i32
          %dma_wait3A_826 = tpu.memref_slice %arg4[%dma_wait3A_825, %add3A_820] : memref<64x8192xf32, #tpu.memory_space<hbm>> -> memref<64x128xf32, #tpu.memory_space<hbm>>
          %dma_wait3A_827 = arith.constant 0 : i32
          %dma_wait3A_828 = tpu.memref_slice %arg4[%dma_wait3A_827, %add3A_820] : memref<64x8192xf32, #tpu.memory_space<hbm>> -> memref<64x128xf32, #tpu.memory_space<hbm>>
          tpu.wait_dma2 semaphore(%run_scoped3A : memref<!tpu.dma_semaphore, #tpu.memory_space<semaphore_mem>>) src(%arg14 : memref<64x128xf32, #tpu.memory_space<vmem>>) dst(%dma_wait3A_828 : memref<64x128xf32, #tpu.memory_space<hbm>>)
          tpu.yield
        }) : () -> ()
      } else {
      }
      %dma_wait3A_514 = arith.constant 0 : i32
      %dma_wait3A_515 = arith.constant 0 : i32
      %dma_wait3A_516 = tpu.memref_slice %arg3[%dma_wait3A_514, %dma_wait3A_515] : memref<64x1000000xf32, #tpu.memory_space<hbm>> -> memref<64x128xf32, #tpu.memory_space<hbm>>
      %dma_wait3A_517 = arith.constant 0 : i32
      %dma_wait3A_518 = arith.constant 0 : i32
      %dma_wait3A_519 = tpu.memref_slice %arg3[%dma_wait3A_517, %dma_wait3A_518] : memref<64x1000000xf32, #tpu.memory_space<hbm>> -> memref<64x128xf32, #tpu.memory_space<hbm>>
      tpu.wait_dma2 semaphore(%arg19 : memref<!tpu.dma_semaphore, #tpu.memory_space<semaphore_mem>>) src(%dma_wait3A_519 : memref<64x128xf32, #tpu.memory_space<hbm>>) dst(%arg10 : memref<64x128xf32, #tpu.memory_space<vmem>>)
      %add3A_520 = arith.constant 4 : i32
      %add3A_521 = arith.addi %mul3A_218, %add3A_520 : i32
      %shift_right_arithmetic3A_522 = arith.constant 4 : i32
      %shift_right_arithmetic3A_523 = arith.shrsi %add3A_521, %shift_right_arithmetic3A_522 : i32
      %shift_left3A_524 = arith.constant 4 : i32
      %shift_left3A_525 = arith.shli %shift_right_arithmetic3A_523, %shift_left3A_524 : i32
      %get3A_526 = arith.index_cast %shift_left3A_525 : i32 to index
      %get3A_527 = tpu.vector_load %arg5[%get3A_526] {strides = array<i32>} : memref<288xi32, #tpu.memory_space<vmem>>, vector<16xi32>,
      %and3A_528 = arith.constant 15 : i32
      %and3A_529 = arith.andi %add3A_521, %and3A_528 : i32
      %add3A_530 = vector.broadcast %and3A_529 : i32 to vector<16xi32>
      %add3A_531 = arith.addi %mul3A_3, %add3A_530 : vector<16xi32>
      %eq3A_532 = arith.cmpi eq, %iota3A, %add3A_531 : vector<16xi32>
      %select_n3A_533 = arith.select %eq3A_532, %get3A_527, %mul3A_3 : vector<16xi1>, vector<16xi32>
      %reduce_sum3A_534 = arith.constant true
      %reduce_sum3A_535 = vector.broadcast %reduce_sum3A_534 : i1 to vector<16xi1>
      %reduce_sum3A_536 = tpu.scan <sum>, %select_n3A_533 masked %reduce_sum3A_535 : vector<16xi32>, vector<16xi1> -> vector<16xi32>
      %reduce_sum3A_537 = vector.extract %reduce_sum3A_536[15] : i32 from vector<16xi32>
      %add3A_538 = arith.constant 4 : i32
      %add3A_539 = arith.addi %mul3A_218, %add3A_538 : i32
      %and3A_540 = arith.constant 127 : i32
      %and3A_541 = arith.andi %reduce_sum3A_537, %and3A_540 : i32
      %add3A_542 = vector.broadcast %and3A_541 : i32 to vector<16xi32>
      %add3A_543 = arith.addi %mul3A_3, %add3A_542 : vector<16xi32>
      %and3A_544 = arith.constant 127 : i32
      %and3A_545 = arith.andi %add3A_539, %and3A_544 : i32
      %add3A_546 = vector.broadcast %and3A_545 : i32 to vector<16xi32>
      %add3A_547 = arith.addi %mul3A_3, %add3A_546 : vector<16xi32>
      %gather3A_548 = tpu.vector_load_idx %arg10[%add3A_6, %add3A_543] : memref<64x128xf32, #tpu.memory_space<vmem>>[vector<16xi32>, vector<16xi32>], vector<16xf32>,
      tpu.vector_store_idx %arg14[%add3A_6, %add3A_547], %gather3A_548 : memref<64x128xf32, #tpu.memory_space<vmem>>[vector<16xi32>, vector<16xi32>], vector<16xf32>,
      %gather3A_549 = tpu.vector_load_idx %arg10[%add3A_9, %add3A_543] : memref<64x128xf32, #tpu.memory_space<vmem>>[vector<16xi32>, vector<16xi32>], vector<16xf32>,
      tpu.vector_store_idx %arg14[%add3A_9, %add3A_547], %gather3A_549 : memref<64x128xf32, #tpu.memory_space<vmem>>[vector<16xi32>, vector<16xi32>], vector<16xf32>,
      %gather3A_550 = tpu.vector_load_idx %arg10[%add3A_12, %add3A_543] : memref<64x128xf32, #tpu.memory_space<vmem>>[vector<16xi32>, vector<16xi32>], vector<16xf32>,
      tpu.vector_store_idx %arg14[%add3A_12, %add3A_547], %gather3A_550 : memref<64x128xf32, #tpu.memory_space<vmem>>[vector<16xi32>, vector<16xi32>], vector<16xf32>,
      %gather3A_551 = tpu.vector_load_idx %arg10[%add3A_15, %add3A_543] : memref<64x128xf32, #tpu.memory_space<vmem>>[vector<16xi32>, vector<16xi32>], vector<16xf32>,
      tpu.vector_store_idx %arg14[%add3A_15, %add3A_547], %gather3A_551 : memref<64x128xf32, #tpu.memory_space<vmem>>[vector<16xi32>, vector<16xi32>], vector<16xf32>,
      %add3A_552 = arith.constant 4 : i32
      %add3A_553 = arith.addi %mul3A_218, %add3A_552 : i32
      %add3A_554 = arith.constant 8 : i32
      %add3A_555 = arith.addi %add3A_553, %add3A_554 : i32
      %shift_right_arithmetic3A_556 = arith.constant 4 : i32
      %shift_right_arithmetic3A_557 = arith.shrsi %add3A_555, %shift_right_arithmetic3A_556 : i32
      %shift_left3A_558 = arith.constant 4 : i32
      %shift_left3A_559 = arith.shli %shift_right_arithmetic3A_557, %shift_left3A_558 : i32
      %get3A_560 = arith.index_cast %shift_left3A_559 : i32 to index
      %get3A_561 = tpu.vector_load %arg5[%get3A_560] {strides = array<i32>} : memref<288xi32, #tpu.memory_space<vmem>>, vector<16xi32>,
      %and3A_562 = arith.constant 15 : i32
      %and3A_563 = arith.andi %add3A_555, %and3A_562 : i32
      %add3A_564 = vector.broadcast %and3A_563 : i32 to vector<16xi32>
      %add3A_565 = arith.addi %mul3A_3, %add3A_564 : vector<16xi32>
      %eq3A_566 = arith.cmpi eq, %iota3A, %add3A_565 : vector<16xi32>
      %select_n3A_567 = arith.select %eq3A_566, %get3A_561, %mul3A_3 : vector<16xi1>, vector<16xi32>
      %reduce_sum3A_568 = arith.constant true
      %reduce_sum3A_569 = vector.broadcast %reduce_sum3A_568 : i1 to vector<16xi1>
      %reduce_sum3A_570 = tpu.scan <sum>, %select_n3A_567 masked %reduce_sum3A_569 : vector<16xi32>, vector<16xi1> -> vector<16xi32>
      %reduce_sum3A_571 = vector.extract %reduce_sum3A_570[15] : i32 from vector<16xi32>
      %shift_right_arithmetic3A_572 = arith.constant 7 : i32
      %shift_right_arithmetic3A_573 = arith.shrsi %reduce_sum3A_571, %shift_right_arithmetic3A_572 : i32
      %mul3A_574 = arith.constant 128 : i32
      %mul3A_575 = arith.muli %shift_right_arithmetic3A_573, %mul3A_574 : i32
      %dma_start3A_576 = arith.constant 0 : i32
      %dma_start3A_577 = tpu.memref_slice %arg3[%dma_start3A_576, %mul3A_575] : memref<64x1000000xf32, #tpu.memory_space<hbm>> -> memref<64x128xf32, #tpu.memory_space<hbm>>
      %dma_start3A_578 = arith.constant 0 : i32
      %dma_start3A_579 = tpu.memref_slice %arg3[%dma_start3A_578, %mul3A_575] : memref<64x1000000xf32, #tpu.memory_space<hbm>> -> memref<64x128xf32, #tpu.memory_space<hbm>>
      tpu.enqueue_dma source(%dma_start3A_579 : memref<64x128xf32, #tpu.memory_space<hbm>>) target(%arg10 : memref<64x128xf32, #tpu.memory_space<vmem>>) target_semaphore(%arg19 : memref<!tpu.dma_semaphore, #tpu.memory_space<semaphore_mem>>)
      %add3A_580 = arith.constant 4 : i32
      %add3A_581 = arith.addi %mul3A_218, %add3A_580 : i32
      %and3A_582 = arith.constant 127 : i32
      %and3A_583 = arith.andi %add3A_581, %and3A_582 : i32
      %eq3A_584 = arith.constant 127 : i32
      %eq3A_585 = arith.cmpi eq, %and3A_583, %eq3A_584 : i32
      %convert_element_type3A_586 = arith.extui %eq3A_585 : i1 to i32
      %cond3A_587 = arith.constant 0 : i32
      %cond3A_588 = arith.cmpi ne, %convert_element_type3A_586, %cond3A_587 : i32
      scf.if %cond3A_588 {
        %add3A_814 = arith.constant 4 : i32
        %add3A_815 = arith.addi %mul3A_218, %add3A_814 : i32
        %shift_right_arithmetic3A_816 = arith.constant 7 : i32
        %shift_right_arithmetic3A_817 = arith.shrsi %add3A_815, %shift_right_arithmetic3A_816 : i32
        %mul3A_818 = arith.constant 128 : i32
        %mul3A_819 = arith.muli %shift_right_arithmetic3A_817, %mul3A_818 : i32
        %add3A_820 = arith.addi %mul3A_17, %mul3A_819 : i32
        "tpu.region"() ({
          %run_scoped3A = tpu.sem_alloc : memref<!tpu.dma_semaphore, #tpu.memory_space<semaphore_mem>>
          %dma_start3A_821 = arith.constant 0 : i32
          %dma_start3A_822 = tpu.memref_slice %arg4[%dma_start3A_821, %add3A_820] : memref<64x8192xf32, #tpu.memory_space<hbm>> -> memref<64x128xf32, #tpu.memory_space<hbm>>
          %dma_start3A_823 = arith.constant 0 : i32
          %dma_start3A_824 = tpu.memref_slice %arg4[%dma_start3A_823, %add3A_820] : memref<64x8192xf32, #tpu.memory_space<hbm>> -> memref<64x128xf32, #tpu.memory_space<hbm>>
          tpu.enqueue_dma source(%arg14 : memref<64x128xf32, #tpu.memory_space<vmem>>) target(%dma_start3A_824 : memref<64x128xf32, #tpu.memory_space<hbm>>) target_semaphore(%run_scoped3A : memref<!tpu.dma_semaphore, #tpu.memory_space<semaphore_mem>>)
          %dma_wait3A_825 = arith.constant 0 : i32
          %dma_wait3A_826 = tpu.memref_slice %arg4[%dma_wait3A_825, %add3A_820] : memref<64x8192xf32, #tpu.memory_space<hbm>> -> memref<64x128xf32, #tpu.memory_space<hbm>>
          %dma_wait3A_827 = arith.constant 0 : i32
          %dma_wait3A_828 = tpu.memref_slice %arg4[%dma_wait3A_827, %add3A_820] : memref<64x8192xf32, #tpu.memory_space<hbm>> -> memref<64x128xf32, #tpu.memory_space<hbm>>
          tpu.wait_dma2 semaphore(%run_scoped3A : memref<!tpu.dma_semaphore, #tpu.memory_space<semaphore_mem>>) src(%arg14 : memref<64x128xf32, #tpu.memory_space<vmem>>) dst(%dma_wait3A_828 : memref<64x128xf32, #tpu.memory_space<hbm>>)
          tpu.yield
        }) : () -> ()
      } else {
      }
      %dma_wait3A_589 = arith.constant 0 : i32
      %dma_wait3A_590 = arith.constant 0 : i32
      %dma_wait3A_591 = tpu.memref_slice %arg3[%dma_wait3A_589, %dma_wait3A_590] : memref<64x1000000xf32, #tpu.memory_space<hbm>> -> memref<64x128xf32, #tpu.memory_space<hbm>>
      %dma_wait3A_592 = arith.constant 0 : i32
      %dma_wait3A_593 = arith.constant 0 : i32
      %dma_wait3A_594 = tpu.memref_slice %arg3[%dma_wait3A_592, %dma_wait3A_593] : memref<64x1000000xf32, #tpu.memory_space<hbm>> -> memref<64x128xf32, #tpu.memory_space<hbm>>
      tpu.wait_dma2 semaphore(%arg20 : memref<!tpu.dma_semaphore, #tpu.memory_space<semaphore_mem>>) src(%dma_wait3A_594 : memref<64x128xf32, #tpu.memory_space<hbm>>) dst(%arg11 : memref<64x128xf32, #tpu.memory_space<vmem>>)
      %add3A_595 = arith.constant 5 : i32
      %add3A_596 = arith.addi %mul3A_218, %add3A_595 : i32
      %shift_right_arithmetic3A_597 = arith.constant 4 : i32
      %shift_right_arithmetic3A_598 = arith.shrsi %add3A_596, %shift_right_arithmetic3A_597 : i32
      %shift_left3A_599 = arith.constant 4 : i32
      %shift_left3A_600 = arith.shli %shift_right_arithmetic3A_598, %shift_left3A_599 : i32
      %get3A_601 = arith.index_cast %shift_left3A_600 : i32 to index
      %get3A_602 = tpu.vector_load %arg5[%get3A_601] {strides = array<i32>} : memref<288xi32, #tpu.memory_space<vmem>>, vector<16xi32>,
      %and3A_603 = arith.constant 15 : i32
      %and3A_604 = arith.andi %add3A_596, %and3A_603 : i32
      %add3A_605 = vector.broadcast %and3A_604 : i32 to vector<16xi32>
      %add3A_606 = arith.addi %mul3A_3, %add3A_605 : vector<16xi32>
      %eq3A_607 = arith.cmpi eq, %iota3A, %add3A_606 : vector<16xi32>
      %select_n3A_608 = arith.select %eq3A_607, %get3A_602, %mul3A_3 : vector<16xi1>, vector<16xi32>
      %reduce_sum3A_609 = arith.constant true
      %reduce_sum3A_610 = vector.broadcast %reduce_sum3A_609 : i1 to vector<16xi1>
      %reduce_sum3A_611 = tpu.scan <sum>, %select_n3A_608 masked %reduce_sum3A_610 : vector<16xi32>, vector<16xi1> -> vector<16xi32>
      %reduce_sum3A_612 = vector.extract %reduce_sum3A_611[15] : i32 from vector<16xi32>
      %add3A_613 = arith.constant 5 : i32
      %add3A_614 = arith.addi %mul3A_218, %add3A_613 : i32
      %and3A_615 = arith.constant 127 : i32
      %and3A_616 = arith.andi %reduce_sum3A_612, %and3A_615 : i32
      %add3A_617 = vector.broadcast %and3A_616 : i32 to vector<16xi32>
      %add3A_618 = arith.addi %mul3A_3, %add3A_617 : vector<16xi32>
      %and3A_619 = arith.constant 127 : i32
      %and3A_620 = arith.andi %add3A_614, %and3A_619 : i32
      %add3A_621 = vector.broadcast %and3A_620 : i32 to vector<16xi32>
      %add3A_622 = arith.addi %mul3A_3, %add3A_621 : vector<16xi32>
      %gather3A_623 = tpu.vector_load_idx %arg11[%add3A_6, %add3A_618] : memref<64x128xf32, #tpu.memory_space<vmem>>[vector<16xi32>, vector<16xi32>], vector<16xf32>,
      tpu.vector_store_idx %arg14[%add3A_6, %add3A_622], %gather3A_623 : memref<64x128xf32, #tpu.memory_space<vmem>>[vector<16xi32>, vector<16xi32>], vector<16xf32>,
      %gather3A_624 = tpu.vector_load_idx %arg11[%add3A_9, %add3A_618] : memref<64x128xf32, #tpu.memory_space<vmem>>[vector<16xi32>, vector<16xi32>], vector<16xf32>,
      tpu.vector_store_idx %arg14[%add3A_9, %add3A_622], %gather3A_624 : memref<64x128xf32, #tpu.memory_space<vmem>>[vector<16xi32>, vector<16xi32>], vector<16xf32>,
      %gather3A_625 = tpu.vector_load_idx %arg11[%add3A_12, %add3A_618] : memref<64x128xf32, #tpu.memory_space<vmem>>[vector<16xi32>, vector<16xi32>], vector<16xf32>,
      tpu.vector_store_idx %arg14[%add3A_12, %add3A_622], %gather3A_625 : memref<64x128xf32, #tpu.memory_space<vmem>>[vector<16xi32>, vector<16xi32>], vector<16xf32>,
      %gather3A_626 = tpu.vector_load_idx %arg11[%add3A_15, %add3A_618] : memref<64x128xf32, #tpu.memory_space<vmem>>[vector<16xi32>, vector<16xi32>], vector<16xf32>,
      tpu.vector_store_idx %arg14[%add3A_15, %add3A_622], %gather3A_626 : memref<64x128xf32, #tpu.memory_space<vmem>>[vector<16xi32>, vector<16xi32>], vector<16xf32>,
      %add3A_627 = arith.constant 5 : i32
      %add3A_628 = arith.addi %mul3A_218, %add3A_627 : i32
      %add3A_629 = arith.constant 8 : i32
      %add3A_630 = arith.addi %add3A_628, %add3A_629 : i32
      %shift_right_arithmetic3A_631 = arith.constant 4 : i32
      %shift_right_arithmetic3A_632 = arith.shrsi %add3A_630, %shift_right_arithmetic3A_631 : i32
      %shift_left3A_633 = arith.constant 4 : i32
      %shift_left3A_634 = arith.shli %shift_right_arithmetic3A_632, %shift_left3A_633 : i32
      %get3A_635 = arith.index_cast %shift_left3A_634 : i32 to index
      %get3A_636 = tpu.vector_load %arg5[%get3A_635] {strides = array<i32>} : memref<288xi32, #tpu.memory_space<vmem>>, vector<16xi32>,
      %and3A_637 = arith.constant 15 : i32
      %and3A_638 = arith.andi %add3A_630, %and3A_637 : i32
      %add3A_639 = vector.broadcast %and3A_638 : i32 to vector<16xi32>
      %add3A_640 = arith.addi %mul3A_3, %add3A_639 : vector<16xi32>
      %eq3A_641 = arith.cmpi eq, %iota3A, %add3A_640 : vector<16xi32>
      %select_n3A_642 = arith.select %eq3A_641, %get3A_636, %mul3A_3 : vector<16xi1>, vector<16xi32>
      %reduce_sum3A_643 = arith.constant true
      %reduce_sum3A_644 = vector.broadcast %reduce_sum3A_643 : i1 to vector<16xi1>
      %reduce_sum3A_645 = tpu.scan <sum>, %select_n3A_642 masked %reduce_sum3A_644 : vector<16xi32>, vector<16xi1> -> vector<16xi32>
      %reduce_sum3A_646 = vector.extract %reduce_sum3A_645[15] : i32 from vector<16xi32>
      %shift_right_arithmetic3A_647 = arith.constant 7 : i32
      %shift_right_arithmetic3A_648 = arith.shrsi %reduce_sum3A_646, %shift_right_arithmetic3A_647 : i32
      %mul3A_649 = arith.constant 128 : i32
      %mul3A_650 = arith.muli %shift_right_arithmetic3A_648, %mul3A_649 : i32
      %dma_start3A_651 = arith.constant 0 : i32
      %dma_start3A_652 = tpu.memref_slice %arg3[%dma_start3A_651, %mul3A_650] : memref<64x1000000xf32, #tpu.memory_space<hbm>> -> memref<64x128xf32, #tpu.memory_space<hbm>>
      %dma_start3A_653 = arith.constant 0 : i32
      %dma_start3A_654 = tpu.memref_slice %arg3[%dma_start3A_653, %mul3A_650] : memref<64x1000000xf32, #tpu.memory_space<hbm>> -> memref<64x128xf32, #tpu.memory_space<hbm>>
      tpu.enqueue_dma source(%dma_start3A_654 : memref<64x128xf32, #tpu.memory_space<hbm>>) target(%arg11 : memref<64x128xf32, #tpu.memory_space<vmem>>) target_semaphore(%arg20 : memref<!tpu.dma_semaphore, #tpu.memory_space<semaphore_mem>>)
      %add3A_655 = arith.constant 5 : i32
      %add3A_656 = arith.addi %mul3A_218, %add3A_655 : i32
      %and3A_657 = arith.constant 127 : i32
      %and3A_658 = arith.andi %add3A_656, %and3A_657 : i32
      %eq3A_659 = arith.constant 127 : i32
      %eq3A_660 = arith.cmpi eq, %and3A_658, %eq3A_659 : i32
      %convert_element_type3A_661 = arith.extui %eq3A_660 : i1 to i32
      %cond3A_662 = arith.constant 0 : i32
      %cond3A_663 = arith.cmpi ne, %convert_element_type3A_661, %cond3A_662 : i32
      scf.if %cond3A_663 {
        %add3A_814 = arith.constant 5 : i32
        %add3A_815 = arith.addi %mul3A_218, %add3A_814 : i32
        %shift_right_arithmetic3A_816 = arith.constant 7 : i32
        %shift_right_arithmetic3A_817 = arith.shrsi %add3A_815, %shift_right_arithmetic3A_816 : i32
        %mul3A_818 = arith.constant 128 : i32
        %mul3A_819 = arith.muli %shift_right_arithmetic3A_817, %mul3A_818 : i32
        %add3A_820 = arith.addi %mul3A_17, %mul3A_819 : i32
        "tpu.region"() ({
          %run_scoped3A = tpu.sem_alloc : memref<!tpu.dma_semaphore, #tpu.memory_space<semaphore_mem>>
          %dma_start3A_821 = arith.constant 0 : i32
          %dma_start3A_822 = tpu.memref_slice %arg4[%dma_start3A_821, %add3A_820] : memref<64x8192xf32, #tpu.memory_space<hbm>> -> memref<64x128xf32, #tpu.memory_space<hbm>>
          %dma_start3A_823 = arith.constant 0 : i32
          %dma_start3A_824 = tpu.memref_slice %arg4[%dma_start3A_823, %add3A_820] : memref<64x8192xf32, #tpu.memory_space<hbm>> -> memref<64x128xf32, #tpu.memory_space<hbm>>
          tpu.enqueue_dma source(%arg14 : memref<64x128xf32, #tpu.memory_space<vmem>>) target(%dma_start3A_824 : memref<64x128xf32, #tpu.memory_space<hbm>>) target_semaphore(%run_scoped3A : memref<!tpu.dma_semaphore, #tpu.memory_space<semaphore_mem>>)
          %dma_wait3A_825 = arith.constant 0 : i32
          %dma_wait3A_826 = tpu.memref_slice %arg4[%dma_wait3A_825, %add3A_820] : memref<64x8192xf32, #tpu.memory_space<hbm>> -> memref<64x128xf32, #tpu.memory_space<hbm>>
          %dma_wait3A_827 = arith.constant 0 : i32
          %dma_wait3A_828 = tpu.memref_slice %arg4[%dma_wait3A_827, %add3A_820] : memref<64x8192xf32, #tpu.memory_space<hbm>> -> memref<64x128xf32, #tpu.memory_space<hbm>>
          tpu.wait_dma2 semaphore(%run_scoped3A : memref<!tpu.dma_semaphore, #tpu.memory_space<semaphore_mem>>) src(%arg14 : memref<64x128xf32, #tpu.memory_space<vmem>>) dst(%dma_wait3A_828 : memref<64x128xf32, #tpu.memory_space<hbm>>)
          tpu.yield
        }) : () -> ()
      } else {
      }
      %dma_wait3A_664 = arith.constant 0 : i32
      %dma_wait3A_665 = arith.constant 0 : i32
      %dma_wait3A_666 = tpu.memref_slice %arg3[%dma_wait3A_664, %dma_wait3A_665] : memref<64x1000000xf32, #tpu.memory_space<hbm>> -> memref<64x128xf32, #tpu.memory_space<hbm>>
      %dma_wait3A_667 = arith.constant 0 : i32
      %dma_wait3A_668 = arith.constant 0 : i32
      %dma_wait3A_669 = tpu.memref_slice %arg3[%dma_wait3A_667, %dma_wait3A_668] : memref<64x1000000xf32, #tpu.memory_space<hbm>> -> memref<64x128xf32, #tpu.memory_space<hbm>>
      tpu.wait_dma2 semaphore(%arg21 : memref<!tpu.dma_semaphore, #tpu.memory_space<semaphore_mem>>) src(%dma_wait3A_669 : memref<64x128xf32, #tpu.memory_space<hbm>>) dst(%arg12 : memref<64x128xf32, #tpu.memory_space<vmem>>)
      %add3A_670 = arith.constant 6 : i32
      %add3A_671 = arith.addi %mul3A_218, %add3A_670 : i32
      %shift_right_arithmetic3A_672 = arith.constant 4 : i32
      %shift_right_arithmetic3A_673 = arith.shrsi %add3A_671, %shift_right_arithmetic3A_672 : i32
      %shift_left3A_674 = arith.constant 4 : i32
      %shift_left3A_675 = arith.shli %shift_right_arithmetic3A_673, %shift_left3A_674 : i32
      %get3A_676 = arith.index_cast %shift_left3A_675 : i32 to index
      %get3A_677 = tpu.vector_load %arg5[%get3A_676] {strides = array<i32>} : memref<288xi32, #tpu.memory_space<vmem>>, vector<16xi32>,
      %and3A_678 = arith.constant 15 : i32
      %and3A_679 = arith.andi %add3A_671, %and3A_678 : i32
      %add3A_680 = vector.broadcast %and3A_679 : i32 to vector<16xi32>
      %add3A_681 = arith.addi %mul3A_3, %add3A_680 : vector<16xi32>
      %eq3A_682 = arith.cmpi eq, %iota3A, %add3A_681 : vector<16xi32>
      %select_n3A_683 = arith.select %eq3A_682, %get3A_677, %mul3A_3 : vector<16xi1>, vector<16xi32>
      %reduce_sum3A_684 = arith.constant true
      %reduce_sum3A_685 = vector.broadcast %reduce_sum3A_684 : i1 to vector<16xi1>
      %reduce_sum3A_686 = tpu.scan <sum>, %select_n3A_683 masked %reduce_sum3A_685 : vector<16xi32>, vector<16xi1> -> vector<16xi32>
      %reduce_sum3A_687 = vector.extract %reduce_sum3A_686[15] : i32 from vector<16xi32>
      %add3A_688 = arith.constant 6 : i32
      %add3A_689 = arith.addi %mul3A_218, %add3A_688 : i32
      %and3A_690 = arith.constant 127 : i32
      %and3A_691 = arith.andi %reduce_sum3A_687, %and3A_690 : i32
      %add3A_692 = vector.broadcast %and3A_691 : i32 to vector<16xi32>
      %add3A_693 = arith.addi %mul3A_3, %add3A_692 : vector<16xi32>
      %and3A_694 = arith.constant 127 : i32
      %and3A_695 = arith.andi %add3A_689, %and3A_694 : i32
      %add3A_696 = vector.broadcast %and3A_695 : i32 to vector<16xi32>
      %add3A_697 = arith.addi %mul3A_3, %add3A_696 : vector<16xi32>
      %gather3A_698 = tpu.vector_load_idx %arg12[%add3A_6, %add3A_693] : memref<64x128xf32, #tpu.memory_space<vmem>>[vector<16xi32>, vector<16xi32>], vector<16xf32>,
      tpu.vector_store_idx %arg14[%add3A_6, %add3A_697], %gather3A_698 : memref<64x128xf32, #tpu.memory_space<vmem>>[vector<16xi32>, vector<16xi32>], vector<16xf32>,
      %gather3A_699 = tpu.vector_load_idx %arg12[%add3A_9, %add3A_693] : memref<64x128xf32, #tpu.memory_space<vmem>>[vector<16xi32>, vector<16xi32>], vector<16xf32>,
      tpu.vector_store_idx %arg14[%add3A_9, %add3A_697], %gather3A_699 : memref<64x128xf32, #tpu.memory_space<vmem>>[vector<16xi32>, vector<16xi32>], vector<16xf32>,
      %gather3A_700 = tpu.vector_load_idx %arg12[%add3A_12, %add3A_693] : memref<64x128xf32, #tpu.memory_space<vmem>>[vector<16xi32>, vector<16xi32>], vector<16xf32>,
      tpu.vector_store_idx %arg14[%add3A_12, %add3A_697], %gather3A_700 : memref<64x128xf32, #tpu.memory_space<vmem>>[vector<16xi32>, vector<16xi32>], vector<16xf32>,
      %gather3A_701 = tpu.vector_load_idx %arg12[%add3A_15, %add3A_693] : memref<64x128xf32, #tpu.memory_space<vmem>>[vector<16xi32>, vector<16xi32>], vector<16xf32>,
      tpu.vector_store_idx %arg14[%add3A_15, %add3A_697], %gather3A_701 : memref<64x128xf32, #tpu.memory_space<vmem>>[vector<16xi32>, vector<16xi32>], vector<16xf32>,
      %add3A_702 = arith.constant 6 : i32
      %add3A_703 = arith.addi %mul3A_218, %add3A_702 : i32
      %add3A_704 = arith.constant 8 : i32
      %add3A_705 = arith.addi %add3A_703, %add3A_704 : i32
      %shift_right_arithmetic3A_706 = arith.constant 4 : i32
      %shift_right_arithmetic3A_707 = arith.shrsi %add3A_705, %shift_right_arithmetic3A_706 : i32
      %shift_left3A_708 = arith.constant 4 : i32
      %shift_left3A_709 = arith.shli %shift_right_arithmetic3A_707, %shift_left3A_708 : i32
      %get3A_710 = arith.index_cast %shift_left3A_709 : i32 to index
      %get3A_711 = tpu.vector_load %arg5[%get3A_710] {strides = array<i32>} : memref<288xi32, #tpu.memory_space<vmem>>, vector<16xi32>,
      %and3A_712 = arith.constant 15 : i32
      %and3A_713 = arith.andi %add3A_705, %and3A_712 : i32
      %add3A_714 = vector.broadcast %and3A_713 : i32 to vector<16xi32>
      %add3A_715 = arith.addi %mul3A_3, %add3A_714 : vector<16xi32>
      %eq3A_716 = arith.cmpi eq, %iota3A, %add3A_715 : vector<16xi32>
      %select_n3A_717 = arith.select %eq3A_716, %get3A_711, %mul3A_3 : vector<16xi1>, vector<16xi32>
      %reduce_sum3A_718 = arith.constant true
      %reduce_sum3A_719 = vector.broadcast %reduce_sum3A_718 : i1 to vector<16xi1>
      %reduce_sum3A_720 = tpu.scan <sum>, %select_n3A_717 masked %reduce_sum3A_719 : vector<16xi32>, vector<16xi1> -> vector<16xi32>
      %reduce_sum3A_721 = vector.extract %reduce_sum3A_720[15] : i32 from vector<16xi32>
      %shift_right_arithmetic3A_722 = arith.constant 7 : i32
      %shift_right_arithmetic3A_723 = arith.shrsi %reduce_sum3A_721, %shift_right_arithmetic3A_722 : i32
      %mul3A_724 = arith.constant 128 : i32
      %mul3A_725 = arith.muli %shift_right_arithmetic3A_723, %mul3A_724 : i32
      %dma_start3A_726 = arith.constant 0 : i32
      %dma_start3A_727 = tpu.memref_slice %arg3[%dma_start3A_726, %mul3A_725] : memref<64x1000000xf32, #tpu.memory_space<hbm>> -> memref<64x128xf32, #tpu.memory_space<hbm>>
      %dma_start3A_728 = arith.constant 0 : i32
      %dma_start3A_729 = tpu.memref_slice %arg3[%dma_start3A_728, %mul3A_725] : memref<64x1000000xf32, #tpu.memory_space<hbm>> -> memref<64x128xf32, #tpu.memory_space<hbm>>
      tpu.enqueue_dma source(%dma_start3A_729 : memref<64x128xf32, #tpu.memory_space<hbm>>) target(%arg12 : memref<64x128xf32, #tpu.memory_space<vmem>>) target_semaphore(%arg21 : memref<!tpu.dma_semaphore, #tpu.memory_space<semaphore_mem>>)
      %add3A_730 = arith.constant 6 : i32
      %add3A_731 = arith.addi %mul3A_218, %add3A_730 : i32
      %and3A_732 = arith.constant 127 : i32
      %and3A_733 = arith.andi %add3A_731, %and3A_732 : i32
      %eq3A_734 = arith.constant 127 : i32
      %eq3A_735 = arith.cmpi eq, %and3A_733, %eq3A_734 : i32
      %convert_element_type3A_736 = arith.extui %eq3A_735 : i1 to i32
      %cond3A_737 = arith.constant 0 : i32
      %cond3A_738 = arith.cmpi ne, %convert_element_type3A_736, %cond3A_737 : i32
      scf.if %cond3A_738 {
        %add3A_814 = arith.constant 6 : i32
        %add3A_815 = arith.addi %mul3A_218, %add3A_814 : i32
        %shift_right_arithmetic3A_816 = arith.constant 7 : i32
        %shift_right_arithmetic3A_817 = arith.shrsi %add3A_815, %shift_right_arithmetic3A_816 : i32
        %mul3A_818 = arith.constant 128 : i32
        %mul3A_819 = arith.muli %shift_right_arithmetic3A_817, %mul3A_818 : i32
        %add3A_820 = arith.addi %mul3A_17, %mul3A_819 : i32
        "tpu.region"() ({
          %run_scoped3A = tpu.sem_alloc : memref<!tpu.dma_semaphore, #tpu.memory_space<semaphore_mem>>
          %dma_start3A_821 = arith.constant 0 : i32
          %dma_start3A_822 = tpu.memref_slice %arg4[%dma_start3A_821, %add3A_820] : memref<64x8192xf32, #tpu.memory_space<hbm>> -> memref<64x128xf32, #tpu.memory_space<hbm>>
          %dma_start3A_823 = arith.constant 0 : i32
          %dma_start3A_824 = tpu.memref_slice %arg4[%dma_start3A_823, %add3A_820] : memref<64x8192xf32, #tpu.memory_space<hbm>> -> memref<64x128xf32, #tpu.memory_space<hbm>>
          tpu.enqueue_dma source(%arg14 : memref<64x128xf32, #tpu.memory_space<vmem>>) target(%dma_start3A_824 : memref<64x128xf32, #tpu.memory_space<hbm>>) target_semaphore(%run_scoped3A : memref<!tpu.dma_semaphore, #tpu.memory_space<semaphore_mem>>)
          %dma_wait3A_825 = arith.constant 0 : i32
          %dma_wait3A_826 = tpu.memref_slice %arg4[%dma_wait3A_825, %add3A_820] : memref<64x8192xf32, #tpu.memory_space<hbm>> -> memref<64x128xf32, #tpu.memory_space<hbm>>
          %dma_wait3A_827 = arith.constant 0 : i32
          %dma_wait3A_828 = tpu.memref_slice %arg4[%dma_wait3A_827, %add3A_820] : memref<64x8192xf32, #tpu.memory_space<hbm>> -> memref<64x128xf32, #tpu.memory_space<hbm>>
          tpu.wait_dma2 semaphore(%run_scoped3A : memref<!tpu.dma_semaphore, #tpu.memory_space<semaphore_mem>>) src(%arg14 : memref<64x128xf32, #tpu.memory_space<vmem>>) dst(%dma_wait3A_828 : memref<64x128xf32, #tpu.memory_space<hbm>>)
          tpu.yield
        }) : () -> ()
      } else {
      }
      %dma_wait3A_739 = arith.constant 0 : i32
      %dma_wait3A_740 = arith.constant 0 : i32
      %dma_wait3A_741 = tpu.memref_slice %arg3[%dma_wait3A_739, %dma_wait3A_740] : memref<64x1000000xf32, #tpu.memory_space<hbm>> -> memref<64x128xf32, #tpu.memory_space<hbm>>
      %dma_wait3A_742 = arith.constant 0 : i32
      %dma_wait3A_743 = arith.constant 0 : i32
      %dma_wait3A_744 = tpu.memref_slice %arg3[%dma_wait3A_742, %dma_wait3A_743] : memref<64x1000000xf32, #tpu.memory_space<hbm>> -> memref<64x128xf32, #tpu.memory_space<hbm>>
      tpu.wait_dma2 semaphore(%arg22 : memref<!tpu.dma_semaphore, #tpu.memory_space<semaphore_mem>>) src(%dma_wait3A_744 : memref<64x128xf32, #tpu.memory_space<hbm>>) dst(%arg13 : memref<64x128xf32, #tpu.memory_space<vmem>>)
      %add3A_745 = arith.constant 7 : i32
      %add3A_746 = arith.addi %mul3A_218, %add3A_745 : i32
      %shift_right_arithmetic3A_747 = arith.constant 4 : i32
      %shift_right_arithmetic3A_748 = arith.shrsi %add3A_746, %shift_right_arithmetic3A_747 : i32
      %shift_left3A_749 = arith.constant 4 : i32
      %shift_left3A_750 = arith.shli %shift_right_arithmetic3A_748, %shift_left3A_749 : i32
      %get3A_751 = arith.index_cast %shift_left3A_750 : i32 to index
      %get3A_752 = tpu.vector_load %arg5[%get3A_751] {strides = array<i32>} : memref<288xi32, #tpu.memory_space<vmem>>, vector<16xi32>,
      %and3A_753 = arith.constant 15 : i32
      %and3A_754 = arith.andi %add3A_746, %and3A_753 : i32
      %add3A_755 = vector.broadcast %and3A_754 : i32 to vector<16xi32>
      %add3A_756 = arith.addi %mul3A_3, %add3A_755 : vector<16xi32>
      %eq3A_757 = arith.cmpi eq, %iota3A, %add3A_756 : vector<16xi32>
      %select_n3A_758 = arith.select %eq3A_757, %get3A_752, %mul3A_3 : vector<16xi1>, vector<16xi32>
      %reduce_sum3A_759 = arith.constant true
      %reduce_sum3A_760 = vector.broadcast %reduce_sum3A_759 : i1 to vector<16xi1>
      %reduce_sum3A_761 = tpu.scan <sum>, %select_n3A_758 masked %reduce_sum3A_760 : vector<16xi32>, vector<16xi1> -> vector<16xi32>
      %reduce_sum3A_762 = vector.extract %reduce_sum3A_761[15] : i32 from vector<16xi32>
      %add3A_763 = arith.constant 7 : i32
      %add3A_764 = arith.addi %mul3A_218, %add3A_763 : i32
      %and3A_765 = arith.constant 127 : i32
      %and3A_766 = arith.andi %reduce_sum3A_762, %and3A_765 : i32
      %add3A_767 = vector.broadcast %and3A_766 : i32 to vector<16xi32>
      %add3A_768 = arith.addi %mul3A_3, %add3A_767 : vector<16xi32>
      %and3A_769 = arith.constant 127 : i32
      %and3A_770 = arith.andi %add3A_764, %and3A_769 : i32
      %add3A_771 = vector.broadcast %and3A_770 : i32 to vector<16xi32>
      %add3A_772 = arith.addi %mul3A_3, %add3A_771 : vector<16xi32>
      %gather3A_773 = tpu.vector_load_idx %arg13[%add3A_6, %add3A_768] : memref<64x128xf32, #tpu.memory_space<vmem>>[vector<16xi32>, vector<16xi32>], vector<16xf32>,
      tpu.vector_store_idx %arg14[%add3A_6, %add3A_772], %gather3A_773 : memref<64x128xf32, #tpu.memory_space<vmem>>[vector<16xi32>, vector<16xi32>], vector<16xf32>,
      %gather3A_774 = tpu.vector_load_idx %arg13[%add3A_9, %add3A_768] : memref<64x128xf32, #tpu.memory_space<vmem>>[vector<16xi32>, vector<16xi32>], vector<16xf32>,
      tpu.vector_store_idx %arg14[%add3A_9, %add3A_772], %gather3A_774 : memref<64x128xf32, #tpu.memory_space<vmem>>[vector<16xi32>, vector<16xi32>], vector<16xf32>,
      %gather3A_775 = tpu.vector_load_idx %arg13[%add3A_12, %add3A_768] : memref<64x128xf32, #tpu.memory_space<vmem>>[vector<16xi32>, vector<16xi32>], vector<16xf32>,
      tpu.vector_store_idx %arg14[%add3A_12, %add3A_772], %gather3A_775 : memref<64x128xf32, #tpu.memory_space<vmem>>[vector<16xi32>, vector<16xi32>], vector<16xf32>,
      %gather3A_776 = tpu.vector_load_idx %arg13[%add3A_15, %add3A_768] : memref<64x128xf32, #tpu.memory_space<vmem>>[vector<16xi32>, vector<16xi32>], vector<16xf32>,
      tpu.vector_store_idx %arg14[%add3A_15, %add3A_772], %gather3A_776 : memref<64x128xf32, #tpu.memory_space<vmem>>[vector<16xi32>, vector<16xi32>], vector<16xf32>,
      %add3A_777 = arith.constant 7 : i32
      %add3A_778 = arith.addi %mul3A_218, %add3A_777 : i32
      %add3A_779 = arith.constant 8 : i32
      %add3A_780 = arith.addi %add3A_778, %add3A_779 : i32
      %shift_right_arithmetic3A_781 = arith.constant 4 : i32
      %shift_right_arithmetic3A_782 = arith.shrsi %add3A_780, %shift_right_arithmetic3A_781 : i32
      %shift_left3A_783 = arith.constant 4 : i32
      %shift_left3A_784 = arith.shli %shift_right_arithmetic3A_782, %shift_left3A_783 : i32
      %get3A_785 = arith.index_cast %shift_left3A_784 : i32 to index
      %get3A_786 = tpu.vector_load %arg5[%get3A_785] {strides = array<i32>} : memref<288xi32, #tpu.memory_space<vmem>>, vector<16xi32>,
      %and3A_787 = arith.constant 15 : i32
      %and3A_788 = arith.andi %add3A_780, %and3A_787 : i32
      %add3A_789 = vector.broadcast %and3A_788 : i32 to vector<16xi32>
      %add3A_790 = arith.addi %mul3A_3, %add3A_789 : vector<16xi32>
      %eq3A_791 = arith.cmpi eq, %iota3A, %add3A_790 : vector<16xi32>
      %select_n3A_792 = arith.select %eq3A_791, %get3A_786, %mul3A_3 : vector<16xi1>, vector<16xi32>
      %reduce_sum3A_793 = arith.constant true
      %reduce_sum3A_794 = vector.broadcast %reduce_sum3A_793 : i1 to vector<16xi1>
      %reduce_sum3A_795 = tpu.scan <sum>, %select_n3A_792 masked %reduce_sum3A_794 : vector<16xi32>, vector<16xi1> -> vector<16xi32>
      %reduce_sum3A_796 = vector.extract %reduce_sum3A_795[15] : i32 from vector<16xi32>
      %shift_right_arithmetic3A_797 = arith.constant 7 : i32
      %shift_right_arithmetic3A_798 = arith.shrsi %reduce_sum3A_796, %shift_right_arithmetic3A_797 : i32
      %mul3A_799 = arith.constant 128 : i32
      %mul3A_800 = arith.muli %shift_right_arithmetic3A_798, %mul3A_799 : i32
      %dma_start3A_801 = arith.constant 0 : i32
      %dma_start3A_802 = tpu.memref_slice %arg3[%dma_start3A_801, %mul3A_800] : memref<64x1000000xf32, #tpu.memory_space<hbm>> -> memref<64x128xf32, #tpu.memory_space<hbm>>
      %dma_start3A_803 = arith.constant 0 : i32
      %dma_start3A_804 = tpu.memref_slice %arg3[%dma_start3A_803, %mul3A_800] : memref<64x1000000xf32, #tpu.memory_space<hbm>> -> memref<64x128xf32, #tpu.memory_space<hbm>>
      tpu.enqueue_dma source(%dma_start3A_804 : memref<64x128xf32, #tpu.memory_space<hbm>>) target(%arg13 : memref<64x128xf32, #tpu.memory_space<vmem>>) target_semaphore(%arg22 : memref<!tpu.dma_semaphore, #tpu.memory_space<semaphore_mem>>)
      %add3A_805 = arith.constant 7 : i32
      %add3A_806 = arith.addi %mul3A_218, %add3A_805 : i32
      %and3A_807 = arith.constant 127 : i32
      %and3A_808 = arith.andi %add3A_806, %and3A_807 : i32
      %eq3A_809 = arith.constant 127 : i32
      %eq3A_810 = arith.cmpi eq, %and3A_808, %eq3A_809 : i32
      %convert_element_type3A_811 = arith.extui %eq3A_810 : i1 to i32
      %cond3A_812 = arith.constant 0 : i32
      %cond3A_813 = arith.cmpi ne, %convert_element_type3A_811, %cond3A_812 : i32
      scf.if %cond3A_813 {
        %add3A_814 = arith.constant 7 : i32
        %add3A_815 = arith.addi %mul3A_218, %add3A_814 : i32
        %shift_right_arithmetic3A_816 = arith.constant 7 : i32
        %shift_right_arithmetic3A_817 = arith.shrsi %add3A_815, %shift_right_arithmetic3A_816 : i32
        %mul3A_818 = arith.constant 128 : i32
        %mul3A_819 = arith.muli %shift_right_arithmetic3A_817, %mul3A_818 : i32
        %add3A_820 = arith.addi %mul3A_17, %mul3A_819 : i32
        "tpu.region"() ({
          %run_scoped3A = tpu.sem_alloc : memref<!tpu.dma_semaphore, #tpu.memory_space<semaphore_mem>>
          %dma_start3A_821 = arith.constant 0 : i32
          %dma_start3A_822 = tpu.memref_slice %arg4[%dma_start3A_821, %add3A_820] : memref<64x8192xf32, #tpu.memory_space<hbm>> -> memref<64x128xf32, #tpu.memory_space<hbm>>
          %dma_start3A_823 = arith.constant 0 : i32
          %dma_start3A_824 = tpu.memref_slice %arg4[%dma_start3A_823, %add3A_820] : memref<64x8192xf32, #tpu.memory_space<hbm>> -> memref<64x128xf32, #tpu.memory_space<hbm>>
          tpu.enqueue_dma source(%arg14 : memref<64x128xf32, #tpu.memory_space<vmem>>) target(%dma_start3A_824 : memref<64x128xf32, #tpu.memory_space<hbm>>) target_semaphore(%run_scoped3A : memref<!tpu.dma_semaphore, #tpu.memory_space<semaphore_mem>>)
          %dma_wait3A_825 = arith.constant 0 : i32
          %dma_wait3A_826 = tpu.memref_slice %arg4[%dma_wait3A_825, %add3A_820] : memref<64x8192xf32, #tpu.memory_space<hbm>> -> memref<64x128xf32, #tpu.memory_space<hbm>>
          %dma_wait3A_827 = arith.constant 0 : i32
          %dma_wait3A_828 = tpu.memref_slice %arg4[%dma_wait3A_827, %add3A_820] : memref<64x8192xf32, #tpu.memory_space<hbm>> -> memref<64x128xf32, #tpu.memory_space<hbm>>
          tpu.wait_dma2 semaphore(%run_scoped3A : memref<!tpu.dma_semaphore, #tpu.memory_space<semaphore_mem>>) src(%arg14 : memref<64x128xf32, #tpu.memory_space<vmem>>) dst(%dma_wait3A_828 : memref<64x128xf32, #tpu.memory_space<hbm>>)
          tpu.yield
        }) : () -> ()
      } else {
      }
    }
    %scan3A_168 = arith.constant 32 : i32
    %dma_wait3A = arith.constant 0 : i32
    %dma_wait3A_169 = arith.constant 0 : i32
    %dma_wait3A_170 = tpu.memref_slice %arg3[%dma_wait3A, %dma_wait3A_169] : memref<64x1000000xf32, #tpu.memory_space<hbm>> -> memref<64x128xf32, #tpu.memory_space<hbm>>
    %dma_wait3A_171 = arith.constant 0 : i32
    %dma_wait3A_172 = arith.constant 0 : i32
    %dma_wait3A_173 = tpu.memref_slice %arg3[%dma_wait3A_171, %dma_wait3A_172] : memref<64x1000000xf32, #tpu.memory_space<hbm>> -> memref<64x128xf32, #tpu.memory_space<hbm>>
    tpu.wait_dma2 semaphore(%arg15 : memref<!tpu.dma_semaphore, #tpu.memory_space<semaphore_mem>>) src(%dma_wait3A_173 : memref<64x128xf32, #tpu.memory_space<hbm>>) dst(%arg6 : memref<64x128xf32, #tpu.memory_space<vmem>>)
    %dma_wait3A_174 = arith.constant 0 : i32
    %dma_wait3A_175 = arith.constant 0 : i32
    %dma_wait3A_176 = tpu.memref_slice %arg3[%dma_wait3A_174, %dma_wait3A_175] : memref<64x1000000xf32, #tpu.memory_space<hbm>> -> memref<64x128xf32, #tpu.memory_space<hbm>>
    %dma_wait3A_177 = arith.constant 0 : i32
    %dma_wait3A_178 = arith.constant 0 : i32
    %dma_wait3A_179 = tpu.memref_slice %arg3[%dma_wait3A_177, %dma_wait3A_178] : memref<64x1000000xf32, #tpu.memory_space<hbm>> -> memref<64x128xf32, #tpu.memory_space<hbm>>
    tpu.wait_dma2 semaphore(%arg16 : memref<!tpu.dma_semaphore, #tpu.memory_space<semaphore_mem>>) src(%dma_wait3A_179 : memref<64x128xf32, #tpu.memory_space<hbm>>) dst(%arg7 : memref<64x128xf32, #tpu.memory_space<vmem>>)
    %dma_wait3A_180 = arith.constant 0 : i32
    %dma_wait3A_181 = arith.constant 0 : i32
    %dma_wait3A_182 = tpu.memref_slice %arg3[%dma_wait3A_180, %dma_wait3A_181] : memref<64x1000000xf32, #tpu.memory_space<hbm>> -> memref<64x128xf32, #tpu.memory_space<hbm>>
    %dma_wait3A_183 = arith.constant 0 : i32
    %dma_wait3A_184 = arith.constant 0 : i32
    %dma_wait3A_185 = tpu.memref_slice %arg3[%dma_wait3A_183, %dma_wait3A_184] : memref<64x1000000xf32, #tpu.memory_space<hbm>> -> memref<64x128xf32, #tpu.memory_space<hbm>>
    tpu.wait_dma2 semaphore(%arg17 : memref<!tpu.dma_semaphore, #tpu.memory_space<semaphore_mem>>) src(%dma_wait3A_185 : memref<64x128xf32, #tpu.memory_space<hbm>>) dst(%arg8 : memref<64x128xf32, #tpu.memory_space<vmem>>)
    %dma_wait3A_186 = arith.constant 0 : i32
    %dma_wait3A_187 = arith.constant 0 : i32
    %dma_wait3A_188 = tpu.memref_slice %arg3[%dma_wait3A_186, %dma_wait3A_187] : memref<64x1000000xf32, #tpu.memory_space<hbm>> -> memref<64x128xf32, #tpu.memory_space<hbm>>
    %dma_wait3A_189 = arith.constant 0 : i32
    %dma_wait3A_190 = arith.constant 0 : i32
    %dma_wait3A_191 = tpu.memref_slice %arg3[%dma_wait3A_189, %dma_wait3A_190] : memref<64x1000000xf32, #tpu.memory_space<hbm>> -> memref<64x128xf32, #tpu.memory_space<hbm>>
    tpu.wait_dma2 semaphore(%arg18 : memref<!tpu.dma_semaphore, #tpu.memory_space<semaphore_mem>>) src(%dma_wait3A_191 : memref<64x128xf32, #tpu.memory_space<hbm>>) dst(%arg9 : memref<64x128xf32, #tpu.memory_space<vmem>>)
    %dma_wait3A_192 = arith.constant 0 : i32
    %dma_wait3A_193 = arith.constant 0 : i32
    %dma_wait3A_194 = tpu.memref_slice %arg3[%dma_wait3A_192, %dma_wait3A_193] : memref<64x1000000xf32, #tpu.memory_space<hbm>> -> memref<64x128xf32, #tpu.memory_space<hbm>>
    %dma_wait3A_195 = arith.constant 0 : i32
    %dma_wait3A_196 = arith.constant 0 : i32
    %dma_wait3A_197 = tpu.memref_slice %arg3[%dma_wait3A_195, %dma_wait3A_196] : memref<64x1000000xf32, #tpu.memory_space<hbm>> -> memref<64x128xf32, #tpu.memory_space<hbm>>
    tpu.wait_dma2 semaphore(%arg19 : memref<!tpu.dma_semaphore, #tpu.memory_space<semaphore_mem>>) src(%dma_wait3A_197 : memref<64x128xf32, #tpu.memory_space<hbm>>) dst(%arg10 : memref<64x128xf32, #tpu.memory_space<vmem>>)
    %dma_wait3A_198 = arith.constant 0 : i32
    %dma_wait3A_199 = arith.constant 0 : i32
    %dma_wait3A_200 = tpu.memref_slice %arg3[%dma_wait3A_198, %dma_wait3A_199] : memref<64x1000000xf32, #tpu.memory_space<hbm>> -> memref<64x128xf32, #tpu.memory_space<hbm>>
    %dma_wait3A_201 = arith.constant 0 : i32
    %dma_wait3A_202 = arith.constant 0 : i32
    %dma_wait3A_203 = tpu.memref_slice %arg3[%dma_wait3A_201, %dma_wait3A_202] : memref<64x1000000xf32, #tpu.memory_space<hbm>> -> memref<64x128xf32, #tpu.memory_space<hbm>>
    tpu.wait_dma2 semaphore(%arg20 : memref<!tpu.dma_semaphore, #tpu.memory_space<semaphore_mem>>) src(%dma_wait3A_203 : memref<64x128xf32, #tpu.memory_space<hbm>>) dst(%arg11 : memref<64x128xf32, #tpu.memory_space<vmem>>)
    %dma_wait3A_204 = arith.constant 0 : i32
    %dma_wait3A_205 = arith.constant 0 : i32
    %dma_wait3A_206 = tpu.memref_slice %arg3[%dma_wait3A_204, %dma_wait3A_205] : memref<64x1000000xf32, #tpu.memory_space<hbm>> -> memref<64x128xf32, #tpu.memory_space<hbm>>
    %dma_wait3A_207 = arith.constant 0 : i32
    %dma_wait3A_208 = arith.constant 0 : i32
    %dma_wait3A_209 = tpu.memref_slice %arg3[%dma_wait3A_207, %dma_wait3A_208] : memref<64x1000000xf32, #tpu.memory_space<hbm>> -> memref<64x128xf32, #tpu.memory_space<hbm>>
    tpu.wait_dma2 semaphore(%arg21 : memref<!tpu.dma_semaphore, #tpu.memory_space<semaphore_mem>>) src(%dma_wait3A_209 : memref<64x128xf32, #tpu.memory_space<hbm>>) dst(%arg12 : memref<64x128xf32, #tpu.memory_space<vmem>>)
    %dma_wait3A_210 = arith.constant 0 : i32
    %dma_wait3A_211 = arith.constant 0 : i32
    %dma_wait3A_212 = tpu.memref_slice %arg3[%dma_wait3A_210, %dma_wait3A_211] : memref<64x1000000xf32, #tpu.memory_space<hbm>> -> memref<64x128xf32, #tpu.memory_space<hbm>>
    %dma_wait3A_213 = arith.constant 0 : i32
    %dma_wait3A_214 = arith.constant 0 : i32
    %dma_wait3A_215 = tpu.memref_slice %arg3[%dma_wait3A_213, %dma_wait3A_214] : memref<64x1000000xf32, #tpu.memory_space<hbm>> -> memref<64x128xf32, #tpu.memory_space<hbm>>
    tpu.wait_dma2 semaphore(%arg22 : memref<!tpu.dma_semaphore, #tpu.memory_space<semaphore_mem>>) src(%dma_wait3A_215 : memref<64x128xf32, #tpu.memory_space<hbm>>) dst(%arg13 : memref<64x128xf32, #tpu.memory_space<vmem>>)
    return
  }
}

</mosaic_0001>

<sc_bundles>
// kernel: kernel.3.cloned.1.call-start
scs
__scs_entry_jumppad:
0x0: {  	(pc) =	sbr.rel $0x88, $3  }
0x1: {  	(tag) =	ssettag $0x0;
	lr =	simm.s32 $0x1  }
0x2: {  	[smem:$0x3FA0] =	sst lr;
	_ =	strace $0xD0000000  }
0x3: {  	_ = 	snop  }
0x4: {  	_ = 	snop  }
0x5: {  	_ = 	snop  }
0x6: {  	_ = 	snop  }
0x7: {  	_ = 	snop  }
__scs_overlays_trampoline_lowered:
0x8: {  	[smem:$0x3FAF] =	sst s0  }
0x9: {  	[smem:$0x3FB0] =	sst s1  }
0xa: {  	[smem:$0x3FB1] =	sst s2  }
0xb: {  	[smem:$0x3FB2] =	sst s3  }
0xc: {  	[smem:$0x3FB3] =	sst s4  }
0xd: {  	[smem:$0x3FB4] =	sst s5  }
0xe: {  	[smem:$0x3FB5] =	sst s6  }
0xf: {  	[smem:$0x3FB6] =	sst s7  }
0x10: {  	[smem:$0x3FB7] =	sst s8  }
0x11: {  	[smem:$0x3FB8] =	sst s9;
	s0 =	simm.s32 @!p0 $0x0  }
0x12: {  	s1 =	sld [smem:$0x3F9E];
	s0 =	simm.s32 @p0 $0x1  }
0x13: {  	[smem:$0x3FB9] =	sst s0;
	s0 =	simm.s32 @!p1 $0x0  }
0x14: {  	s2 =	sld [smem:$0x3F9D];
	s0 =	simm.s32 @p1 $0x1  }
0x15: {  	[smem:$0x3FBA] =	sst s0;
	s0 =	simm.s32 @!p2 $0x0  }
0x16: {  	s3 =	sld [smem:$0x3FDB];
	s0 =	simm.s32 @p2 $0x1  }
0x17: {  	s4 =	simm.s32 $0x1BF5;
	[smem:$0x3FBC] =	sst s0  }
0x18: {  	s0 =	sld [smem:$0x3F9F];
	_ =	swait.ge [sflag:s4], $0x0  }
0x19: {  	s7 =	sld [smem:$0x3FA0]  }
0x1a: {  	s8 =	sadd.s32 $0xFFFFE003, lr  }
0x1b: {  	s9 =	sadd.s32 $0xFFFFFEF7, lr;
	s5 =	simm.s32 $0xFFFFFFFF;
	p2 =	slt.u32 s8, $0xFFFFF086  }
0x1c: {  	p1 =	slt.u32 s9, $0xF7A;
	s5 =	simm.s32 @!p2 $0x0  }
0x1d: {  	s5 =	simm.s32 @p1 $0x1;
	p0 =	seq.s32 s7, s2  }
0x1e: {  	s7 =	smul.u32 @!p0 $0xF7A, s2;
	p2 =	seq.s32 @!p0 s5, $0x0  }
0x1f: {  	s9 =	smul.u32 $0xF7A, s1;
	s8 =	simm.s32 @!p0 $0x1BF5;
	p2 =	por !p2, p0  }
0x20: {  	[sflag:s8] =	ssyncset.s32 @!p0 $0xFFFFF086;
	s6 =	sadd.s32 @!p0 s3, s7;
	s7 =	simm.s32 @!p0 $0x108  }
0x21: {  	s3 =	sadd.s32 s3, s9;
	s6 =	sadd.s32 @!p0 $0x88, s6;
	s7 =	simm.s32 @p2 $0x1082  }
0x22: {  	[simem:s7], [sflag:s8] =	dma.local @!p0 [hbm:s6], $0xF7A  }
0x23: {  	s9 =	sor.u32 $0xD0000000, s2;
	s6 =	simm.s32 $0x108;
	_ =	swait.ge @!p0 [sflag:s8], $0x0  }
0x24: {  	s3 =	sadd.s32 $0x88, s3;
	s6 =	simm.s32 @!p1 $0x1082;
	[sflag:s4] =	ssyncset.s32 $0xFFFFF086  }
0x25: {  	[simem:s6], [sflag:s4] =	dma.local [hbm:s3], $0xF7A  }
0x26: {  	[smem:$0x3FA0] =	sst s1;
	(tag) =	ssettag s2;
	_ =	strace s9  }
0x27: {  	s1 =	sld [smem:$0x3FB0]  }
0x28: {  	s2 =	sld [smem:$0x3FB1]  }
0x29: {  	s4 =	sld [smem:$0x3FB3]  }
0x2a: {  	p0 =	seq.s32 s5, $0x0;
	s5 =	sld [smem:$0x3FB4]  }
0x2b: {  	s6 =	sld [smem:$0x3FB5]  }
0x2c: {  	s7 =	sld [smem:$0x3FB6]  }
0x2d: {  	s3 =	simm.s32 $0x108;
	s8 =	sld [smem:$0x3FB7]  }
0x2e: {  	s3 =	simm.s32 @!p0 $0x1082;
	s9 =	sld [smem:$0x3FB8]  }
0x2f: {  	lr =	sadd.s32 s0, s3;
	s0 =	sld [smem:$0x3FAF]  }
0x30: {  	s3 =	sld [smem:$0x3FB2]  }
0x31: {  	[smem:$0x3FBB] =	sst s10  }
0x32: {  	s10 =	sld [smem:$0x3FB9];
	_ =	sdelay $0x3  }
0x33: {  	p0 =	seq.s32 s10, $0x1;
	s10 =	sld [smem:$0x3FBB];
	_ =	sdelay $0x3  }
0x34: {  	[smem:$0x3FBB] =	sst s10  }
0x35: {  	s10 =	sld [smem:$0x3FBA];
	_ =	sdelay $0x3  }
0x36: {  	p1 =	seq.s32 s10, $0x1;
	s10 =	sld [smem:$0x3FBB];
	_ =	sdelay $0x3  }
0x37: {  	[smem:$0x3FBB] =	sst s10  }
0x38: {  	s10 =	sld [smem:$0x3FBC]  }
0x39: {  	_ = 	snop;
	(pc) =	sbr.ind lr, $3  }
0x3a: {  	_ = 	snop  }
0x3b: {  	_ = 	snop  }
0x3c: {  	p2 =	seq.s32 s10, $0x1;
	s10 =	sld [smem:$0x3FBB]  }
0x3d: {  	_ =	shalt  }
0x3e: {  	_ =	shalt  }
0x3f: {  	_ =	shalt  }
0x40: {  	_ =	shalt  }
0x41: {  	_ =	shalt  }
0x42: {  	_ =	shalt  }
0x43: {  	_ =	shalt  }
0x44: {  	_ =	shalt  }
0x45: {  	_ =	shalt  }
0x46: {  	_ =	shalt  }
0x47: {  	_ =	shalt  }
0x48: {  	_ =	shalt  }
0x49: {  	_ =	shalt  }
0x4a: {  	_ =	shalt  }
0x4b: {  	_ =	shalt  }
0x4c: {  	_ =	shalt  }
0x4d: {  	_ =	shalt  }
0x4e: {  	_ =	shalt  }
0x4f: {  	_ =	shalt  }
0x50: {  	_ =	shalt  }
0x51: {  	_ =	shalt  }
0x52: {  	_ =	shalt  }
0x53: {  	_ =	shalt  }
0x54: {  	_ =	shalt  }
0x55: {  	_ =	shalt  }
0x56: {  	_ =	shalt  }
0x57: {  	_ =	shalt  }
0x58: {  	_ =	shalt  }
0x59: {  	_ =	shalt  }
0x5a: {  	_ =	shalt  }
0x5b: {  	_ =	shalt  }
0x5c: {  	_ =	shalt  }
0x5d: {  	_ =	shalt  }
0x5e: {  	_ =	shalt  }
0x5f: {  	_ =	shalt  }
0x60: {  	_ =	shalt  }
0x61: {  	_ =	shalt  }
0x62: {  	_ =	shalt  }
0x63: {  	_ =	shalt  }
0x64: {  	_ =	shalt  }
0x65: {  	_ =	shalt  }
0x66: {  	_ =	shalt  }
0x67: {  	_ =	shalt  }
0x68: {  	_ =	shalt  }
0x69: {  	_ =	shalt  }
0x6a: {  	_ =	shalt  }
0x6b: {  	_ =	shalt  }
0x6c: {  	_ =	shalt  }
0x6d: {  	_ =	shalt  }
0x6e: {  	_ =	shalt  }
0x6f: {  	_ =	shalt  }
0x70: {  	_ =	shalt  }
0x71: {  	_ =	shalt  }
0x72: {  	_ =	shalt  }
0x73: {  	_ =	shalt  }
0x74: {  	_ =	shalt  }
0x75: {  	_ =	shalt  }
0x76: {  	_ =	shalt  }
0x77: {  	_ =	shalt  }
0x78: {  	_ =	shalt  }
0x79: {  	_ =	shalt  }
0x7a: {  	_ =	shalt  }
0x7b: {  	_ =	shalt  }
0x7c: {  	_ =	shalt  }
0x7d: {  	_ =	shalt  }
0x7e: {  	_ =	shalt  }
0x7f: {  	_ =	shalt  }
0x80: {  	_ =	shalt  }
0x81: {  	_ =	shalt  }
0x82: {  	_ =	shalt  }
0x83: {  	_ =	shalt  }
0x84: {  	_ =	shalt  }
0x85: {  	_ =	shalt  }
0x86: {  	_ =	shalt  }
0x87: {  	_ =	shalt  }
.Lfunc_end0:
.L_simem_size_0:
called_computation_lowered:
.L_overlay_start_0:
0x88: {  	s2 =	sld [smem:$0x3FD9]  }
0x89: {  	s3 =	sld [smem:$0x3FFE];
	_ =	sdelay $0x1  }
0x8a: {  	s1 =	srdreg.scid  }
0x8b: {  	s0 =	sand.u32 $0x1, s1  }
0x8c: {  	s17 =	sshll.u32 s0, $0xA;
	s2 =	sadd.s32 s3, s2  }
0x8d: {  	s2 =	sadd.s32 s2, s17  }
0x8e: {  	[smem:$0x3FC7] =	sst s2  }
0x8f: {  	_ = 	snop  }
0x90: {  	s2 =	sld [smem:$0x3FC9]  }
0x91: {  	s18 =	sld [smem:$0x3FD0];
	(tm) =	ssettm $0x1  }
0x92: {  	s4 =	sld [smem:$0x3FFB];
	_ =	sdelay $0x3  }
0x93: {  	_ =	strace s4  }
0x94: {  	s4 =	sld [smem:$0x3FFC];
	_ =	sdelay $0x3  }
0x95: {  	_ =	strace s4  }
0x96: {  	s4 =	sld [smem:$0x3FFD];
	_ =	sdelay $0x3  }
0x97: {  	_ =	strace s4  }
0x98: {  	_ =	strace $0x8FFFFFFF  }
0x99: {  	s19 =	sld [smem:$0x3FDB];
	_ =	sdelay $0x1  }
0x9a: {  	s5 =	simm.s32 $_scs_section_size  }
0x9b: {  	s6 =	simm.s32 $_size__tile_overlayer_lowered;
	s7 =	simm.s32 $_tile_overlayer_lowered  }
0x9c: {  	s22 =	simm.s32 $0x1BFF;
	s21 =	sshll.u32 s7, $0x1;
	s4 =	sadd.s32 s5, s19  }
0x9d: {  	s8 =	simm.s32 $0x0;
	s20 =	sshll.u32 s6, $0x1;
	s6 =	sadd.s32 s21, s4  }
0x9e: {  	[timem:s8], [sflag:s22] =	dma.local [hbm:s6], s20  }
0x9f: {  	_ =	swait.ge [sflag:s22], s20  }
0xa0: {  	s5 =	ssub.s32 $0x0, s20;
	[sflag:s22] =	ssyncset.done $0x0  }
0xa1: {  	[sflag:s22] =	ssyncadd.s32 s5;
	_ =	sdelay $0x1  }
0xa2: {  	s23 =	simm.s32 $0x1B8B  }
0xa3: {  	_ =	swait.ge [sflag:s23], $0x1  }
0xa4: {  	[sflag:s23] =	ssyncset.done $0x0  }
0xa5: {  	s25 =	simm.s32 $0x1B8E;
	s24 =	sld [smem:$0x3FFE];
	[sflag:s23] =	ssyncadd.s32 $0xFFFFFFFF  }
0xa6: {  	s26 =	simm.s32 $execute0_lowered;
	[smem:$0x3FD2] =	sst s25  }
0xa7: {  	s6 =	sshll.u32 s26, $0x1;
	_ =	strace $0x80000046;
	[dreg:$0x1] =	wrdreg $0xFFFFFFFF  }
0xa8: {  	s28 =	simm.s32 $_size_execute0_lowered;
	s4 =	sadd.s32 s4, s6;
	[dreg:$0x0] =	wrdreg $0x0  }
0xa9: {  	s6 =	sshll.u32 s28, $0x1;
	[dreg:$0x2] =	wrdreg s4  }
0xaa: {  	[dreg:$0x3] =	wrdreg s6  }
0xab: {  	[dreg:$0x4] =	wrdreg $0xC0  }
0xac: {  	_ =	task [dreg:s8], $0x5FFFF  }
0xad: {  	[dreg:$0x1] =	wrdreg $0xFFFFFFFF  }
0xae: {  	[dreg:$0x0] =	wrdreg $0x60  }
0xaf: {  	[dreg:$0x2] =	wrdreg s24  }
0xb0: {  	[dreg:$0x3] =	wrdreg s2  }
0xb1: {  	[dreg:$0x4] =	wrdreg s18  }
0xb2: {  	[dreg:$0x5] =	wrdreg $0x9  }
0xb3: {  	_ =	task.clear_ibuf [dreg:s8], $0x6FFFF;
	_ =	strace $0x90000046  }
0xb4: {  	s29 =	simm.s32 $0x9;
	_ =	strace $0x80000048  }
0xb5: {  	_ =	swait.ge [sflag:s29], $0x1  }
0xb6: {  	[sflag:s29] =	ssyncadd.s32 $0xFFFFFFFF  }
0xb7: {  	_ =	strace $0x90000048  }
0xb8: {  	_ =	sfence  }
0xb9: {  	s30 =	sld [smem:$0x0];
	_ =	sdelay $0x2  }
0xba: {  	s31 =	sshll.u32 s1, $0xD;
	s1 =	sshrl.u32 s1, $0x2  }
0xbb: {  	s3 =	sand.u32 $0x4000, s31;
	s1 =	sadd.s32 s1, s30  }
0xbc: {  	s0 =	sor.u32 s3, s0;
	s1 =	sshll.u32 s1, $0x11  }
0xbd: {  	s0 =	sor.u32 s1, s0  }
0xbe: {  	s0 =	sadd.s32 $0x8F2B, s0  }
0xbf: {  	[sflag:s0] =	ssyncadd.remote.s32 $0x1  }
0xc0: {  	_ =	sfence.sel $0xFFFF  }
0xc1: {  	[dreg:$0x0] =	wrdreg $0xFFFFFFFF;
	(pc) =	sbr.abs _section_cstart, $3  }
0xc2: {  	[dreg:$0x1] =	wrdreg $0xFFFFFFFF  }
0xc3: {  	_ =	task.clear_ibuf [dreg:s8], $0x2FFFF;
	_ =	strace $0x9FFFFFFF  }
0xc4: {  	(tm) =	ssettm $0x7FFFFFFF  }
0xc5: {  	_ =	shalt  }
tec
execute0_lowered:
.L_overlay_start_1:
0x0: {  	(tag) =	ssettag $0x1  }
0x1: {  	s4 =	rddreg [dreg:$0x0]  }
0x2: {  	s1 =	srdreg.scid;
	s2 =	rddreg [dreg:$0x1]  }
0x3: {  	s0 =	stileid.u32;
	s7 =	rddreg [dreg:$0x2];
	s3 =	simm.s32 $0x0  }
0x4: {  	s10 =	simm.s32 $0x180;
	s11 =	simm.s32 $0x2180;
	s12 =	simm.s32 $0x4180  }
0x5: {  	s13 =	simm.s32 $0x6180;
	s14 =	simm.s32 $0x8180;
	s15 =	simm.s32 $0xA180  }
0x6: {  	s16 =	simm.s32 $0xC180;
	s17 =	simm.s32 $0xE180;
	s18 =	simm.s32 $0x1  }
0x7: {  	s19 =	simm.s32 $0x10180;
	s20 =	simm.s32 $0x2;
	s21 =	simm.s32 $0x3  }
0x8: {  	s22 =	simm.s32 $0x4;
	s23 =	simm.s32 $0x5;
	s24 =	simm.s32 $0x6  }
0x9: {  	s25 =	simm.s32 $0x7;
	s26 =	simm.s32 $0x8;
	s28 =	simm.s32 $0x0  }
0xa: {  	s5 =	sand.u32 $0x1, s1;
	s29 =	sshll.u32 s0, $0x1;
	s30 =	sshrl.u32 s0, $0x2  }
0xb: {  	[smem:$0x7FF] =	sst s3;
	s6 =	sor.u32 s5, s29;
	s8 =	smul.u32 $0xC00, s30  }
0xc: {  	_ =	strace $0x80000047;
	s5 =	ssub.s32 $0x2, s5;
	s9 =	sshll.u32 s6, $0x7  }
0xd: {  	v0 =	vlaneseq.u32;
	s31 =	sshrl.u32 s5, $0x1;
	s6 =	sshll.u32 s6, $0x8;
	s9 =	sand.u32 $0x380, s9  }
0xe: {  	vm1 =	vcmask $0x308;
	vm2 =	vcmask $0x70C;
	v1 =	vmul.u32 $0x80, v0;
	s5 =	ssub.s32 s5, s31;
	s6 =	sadd.s32 s7, s6;
	s8 =	sor.u32 s8, s9  }
0xf: {  	vm3 =	vcmask $0xB10;
	vm4 =	vcmask $0xF14;
	vm5 =	vcmask $0x1318;
	s7 =	simm.s32 $0x400;
	[dreg:$0x4] =	wrdreg s6;
	s8 =	sshrl.u32 s8, $0x3  }
0x10: {  	vm6 =	vcmask $0x171C;
	vm7 =	vcmask $0x1B20;
	v2 =	vor.u32 $0x800, v1;
	s5 =	smax.u32 s5, $0x1;
	s6 =	simm.s32 $0x80;
	s4 =	sadd.s32 s8, s4  }
0x11: {  	vm0 =	vmmov $0x1;
	v3 =	vor.u32 $0x1000, v1;
	v4 =	vor.u32 $0x1800, v1;
	s9 =	simm.s32 $0x7A1400;
	s8 =	simm.s32 $0x9;
	s4 =	sadd.s32 $0x400, s4  }
.LBB2_1:
0x12: {  	[tilespmem:s3], [sflag:$0x9] =	stream.strided.gather [hbm4b:s4+s6], $0x180, s7, s6, $0x38;
	[tilespmem:$0x12180] =	vst v63  }
0x13: {  	_ =	swait.ge [sflag:s8], $0x180  }
0x14: {  	[sflag:s8] =	ssyncset.done $0x0  }
0x15: {  	[sflag:s8] =	ssyncadd.s32 $0xFFFFFE80  }
0x16: {  	v5 =	vld [tilespmem:$0x0];
	_ =	sdelay $0x4  }
0x17: {  	v5 =	vnsel vm0, $0x0, v5  }
0x18: {  	(xrf0) =	vadd.scan.msk.s32 $0xffff, v5;
	_ =	sdelay $0x5  }
0x19: {  	v5, _, _ =	vpop (xrf0)  }
0x1a: {  	(v2sf) =	vpush v5, $0xF;
	_ =	sdelay $0xe  }
0x1b: {  	s29 =	spop (v2sf)  }
0x1c: {  	s29 =	sand.u32 $0xFFFFF80, s29  }
0x1d: {  	s29 =	sadd.s32 s2, s29  }
0x1e: {  	[tilespmem:s10], [sflag:$0x1] =	stream.strided.gather [hbm4b:s29+s7], $0x2000, s9, s7, $0x38;
	[tilespmem:$0x12180] =	vst v63  }
0x1f: {  	v5 =	vld [tilespmem:$0x0];
	_ =	sdelay $0x4  }
0x20: {  	v5 =	vsel vm1, $0x0, v5  }
0x21: {  	(xrf0) =	vadd.scan.msk.s32 $0xffff, v5;
	_ =	sdelay $0x5  }
0x22: {  	v5, _, _ =	vpop (xrf0)  }
0x23: {  	(v2sf) =	vpush v5, $0xF;
	_ =	sdelay $0xe  }
0x24: {  	s29 =	spop (v2sf)  }
0x25: {  	s29 =	sand.u32 $0xFFFFF80, s29  }
0x26: {  	s29 =	sadd.s32 s2, s29  }
0x27: {  	[tilespmem:s11], [sflag:$0x2] =	stream.strided.gather [hbm4b:s29+s7], $0x2000, s9, s7, $0x38;
	[tilespmem:$0x12180] =	vst v63  }
0x28: {  	v5 =	vld [tilespmem:$0x0];
	_ =	sdelay $0x4  }
0x29: {  	v5 =	vsel vm2, $0x0, v5  }
0x2a: {  	(xrf0) =	vadd.scan.msk.s32 $0xffff, v5;
	_ =	sdelay $0x5  }
0x2b: {  	v5, _, _ =	vpop (xrf0)  }
0x2c: {  	(v2sf) =	vpush v5, $0xF;
	_ =	sdelay $0xe  }
0x2d: {  	s29 =	spop (v2sf)  }
0x2e: {  	s29 =	sand.u32 $0xFFFFF80, s29  }
0x2f: {  	s29 =	sadd.s32 s2, s29  }
0x30: {  	[tilespmem:s12], [sflag:$0x3] =	stream.strided.gather [hbm4b:s29+s7], $0x2000, s9, s7, $0x38;
	[tilespmem:$0x12180] =	vst v63  }
0x31: {  	v5 =	vld [tilespmem:$0x0];
	_ =	sdelay $0x4  }
0x32: {  	v5 =	vsel vm3, $0x0, v5  }
0x33: {  	(xrf0) =	vadd.scan.msk.s32 $0xffff, v5;
	_ =	sdelay $0x5  }
0x34: {  	v5, _, _ =	vpop (xrf0)  }
0x35: {  	(v2sf) =	vpush v5, $0xF;
	_ =	sdelay $0xe  }
0x36: {  	s29 =	spop (v2sf)  }
0x37: {  	s29 =	sand.u32 $0xFFFFF80, s29  }
0x38: {  	s29 =	sadd.s32 s2, s29  }
0x39: {  	[tilespmem:s13], [sflag:$0x4] =	stream.strided.gather [hbm4b:s29+s7], $0x2000, s9, s7, $0x38;
	[tilespmem:$0x12180] =	vst v63  }
0x3a: {  	v5 =	vld [tilespmem:$0x0];
	_ =	sdelay $0x4  }
0x3b: {  	v5 =	vsel vm4, $0x0, v5  }
0x3c: {  	(xrf0) =	vadd.scan.msk.s32 $0xffff, v5;
	_ =	sdelay $0x5  }
0x3d: {  	v5, _, _ =	vpop (xrf0)  }
0x3e: {  	(v2sf) =	vpush v5, $0xF;
	_ =	sdelay $0xe  }
0x3f: {  	s29 =	spop (v2sf)  }
0x40: {  	s29 =	sand.u32 $0xFFFFF80, s29  }
0x41: {  	s29 =	sadd.s32 s2, s29  }
0x42: {  	[tilespmem:s14], [sflag:$0x5] =	stream.strided.gather [hbm4b:s29+s7], $0x2000, s9, s7, $0x38;
	[tilespmem:$0x12180] =	vst v63  }
0x43: {  	v5 =	vld [tilespmem:$0x0];
	_ =	sdelay $0x4  }
0x44: {  	v5 =	vsel vm5, $0x0, v5  }
0x45: {  	(xrf0) =	vadd.scan.msk.s32 $0xffff, v5;
	_ =	sdelay $0x5  }
0x46: {  	v5, _, _ =	vpop (xrf0)  }
0x47: {  	(v2sf) =	vpush v5, $0xF;
	_ =	sdelay $0xe  }
0x48: {  	s29 =	spop (v2sf)  }
0x49: {  	s29 =	sand.u32 $0xFFFFF80, s29  }
0x4a: {  	s29 =	sadd.s32 s2, s29  }
0x4b: {  	[tilespmem:s15], [sflag:$0x6] =	stream.strided.gather [hbm4b:s29+s7], $0x2000, s9, s7, $0x38;
	[tilespmem:$0x12180] =	vst v63  }
0x4c: {  	v5 =	vld [tilespmem:$0x0];
	_ =	sdelay $0x4  }
0x4d: {  	v5 =	vsel vm6, $0x0, v5  }
0x4e: {  	(xrf0) =	vadd.scan.msk.s32 $0xffff, v5;
	_ =	sdelay $0x5  }
0x4f: {  	v5, _, _ =	vpop (xrf0)  }
0x50: {  	(v2sf) =	vpush v5, $0xF;
	_ =	sdelay $0xe  }
0x51: {  	s29 =	spop (v2sf)  }
0x52: {  	s29 =	sand.u32 $0xFFFFF80, s29  }
0x53: {  	s29 =	sadd.s32 s2, s29  }
0x54: {  	[tilespmem:s16], [sflag:$0x7] =	stream.strided.gather [hbm4b:s29+s7], $0x2000, s9, s7, $0x38;
	[tilespmem:$0x12180] =	vst v63  }
0x55: {  	v5 =	vld [tilespmem:$0x0];
	_ =	sdelay $0x4  }
0x56: {  	v5 =	vsel vm7, $0x0, v5  }
0x57: {  	(xrf0) =	vadd.scan.msk.s32 $0xffff, v5;
	_ =	sdelay $0x5  }
0x58: {  	v5, _, _ =	vpop (xrf0)  }
0x59: {  	(v2sf) =	vpush v5, $0xF;
	_ =	sdelay $0xe  }
0x5a: {  	s29 =	spop (v2sf)  }
0x5b: {  	s29 =	sand.u32 $0xFFFFF80, s29  }
0x5c: {  	s29 =	sadd.s32 s2, s29  }
0x5d: {  	[tilespmem:s17], [sflag:$0x8] =	stream.strided.gather [hbm4b:s29+s7], $0x2000, s9, s7, $0x38;
	[tilespmem:$0x12180] =	vst v63  }
0x5e: {  	s29 =	simm.s32 $0x0  }
.LBB2_2:
0x5f: {  	_ =	swait.ge [sflag:s18], $0x2000  }
0x60: {  	[sflag:s18] =	ssyncset.done $0x0  }
0x61: {  	s31 =	sand.u32 $0xF0, s29;
	[sflag:s18] =	ssyncadd.s32 $0xFFFFE000  }
0x62: {  	v5 =	vld [tilespmem:s31+$0x0];
	_ =	sdelay $0x1  }
0x63: {  	s30 =	sand.u32 $0x8, s29  }
0x64: {  	v6 =	vmov s30  }
0x65: {  	vm8 =	veq.s32 v6, v0  }
0x66: {  	v5 =	vnsel vm8, $0x0, v5  }
0x67: {  	(xrf0) =	vadd.scan.msk.s32 $0xffff, v5;
	_ =	sdelay $0x5  }
0x68: {  	v5, _, _ =	vpop (xrf0)  }
0x69: {  	(v2sf) =	vpush v5, $0xF;
	_ =	sdelay $0xe  }
0x6a: {  	s1 =	spop (v2sf)  }
0x6b: {  	s30 =	sand.u32 $0x7F, s1  }
0x6c: {  	v5 =	vor.u32 s30, v1;
	_ =	sdelay $0x3  }
0x6d: {  	s1 =	sand.u32 $0x78, s29  }
0x6e: {  	v6 =	vor.u32 s1, v1;
	v5 =	vld.idx.msk [tilespmem:v5+s10+$0x0], $0xffff  }
0x6f: {  	v7 =	vor.u32 s30, v2;
	_ =	sdelay $0x3  }
0x70: {  	[tilespmem:v6+s19+$0x0] =	vst.idx.msk $0xffff, v5  }
0x71: {  	v6 =	vor.u32 s1, v2;
	v5 =	vld.idx.msk [tilespmem:v7+s10+$0x0], $0xffff  }
0x72: {  	v7 =	vor.u32 s30, v3;
	_ =	sdelay $0x3  }
0x73: {  	[tilespmem:v6+s19+$0x0] =	vst.idx.msk $0xffff, v5  }
0x74: {  	v6 =	vor.u32 s1, v3;
	v5 =	vld.idx.msk [tilespmem:v7+s10+$0x0], $0xffff  }
0x75: {  	v7 =	vor.u32 s30, v4;
	_ =	sdelay $0x3  }
0x76: {  	[tilespmem:v6+s19+$0x0] =	vst.idx.msk $0xffff, v5  }
0x77: {  	v6 =	vor.u32 s1, v4;
	v5 =	vld.idx.msk [tilespmem:v7+s10+$0x0], $0xffff;
	_ =	sdelay $0x3  }
0x78: {  	s30 =	sadd.s32 $0x8, s29  }
0x79: {  	s0 =	sand.u32 $0x1F0, s30;
	[tilespmem:v6+s19+$0x0] =	vst.idx.msk $0xffff, v5  }
0x7a: {  	v5 =	vld [tilespmem:s0+$0x0];
	_ =	sdelay $0x1  }
0x7b: {  	s0 =	sand.u32 $0x8, s30  }
0x7c: {  	v6 =	vmov s0  }
0x7d: {  	vm8 =	veq.s32 v6, v0  }
0x7e: {  	v5 =	vnsel vm8, $0x0, v5  }
0x7f: {  	(xrf0) =	vadd.scan.msk.s32 $0xffff, v5;
	_ =	sdelay $0x5  }
0x80: {  	v5, _, _ =	vpop (xrf0)  }
0x81: {  	(v2sf) =	vpush v5, $0xF;
	_ =	sdelay $0xe  }
0x82: {  	s0 =	spop (v2sf)  }
0x83: {  	s1 =	sand.u32 $0xFFFFF80, s0  }
0x84: {  	s1 =	sadd.s32 s2, s1  }
0x85: {  	[tilespmem:s10], [sflag:$0x1] =	stream.strided.gather [hbm4b:s1+s7], $0x2000, s9, s7, $0x38;
	[tilespmem:$0x12180] =	vst v63  }
0x86: {  	_ =	swait.ge [sflag:s20], $0x2000  }
0x87: {  	[sflag:s20] =	ssyncset.done $0x0  }
0x88: {  	[sflag:s20] =	ssyncadd.s32 $0xFFFFE000  }
0x89: {  	v5 =	vld [tilespmem:s31+$0x0]  }
0x8a: {  	s1 =	sadd.s32 $0x1, s29  }
0x8b: {  	s0 =	sand.u32 $0x9, s1  }
0x8c: {  	v6 =	vmov s0  }
0x8d: {  	vm8 =	veq.s32 v6, v0  }
0x8e: {  	v5 =	vnsel vm8, $0x0, v5  }
0x8f: {  	(xrf0) =	vadd.scan.msk.s32 $0xffff, v5;
	_ =	sdelay $0x5  }
0x90: {  	v5, _, _ =	vpop (xrf0)  }
0x91: {  	(v2sf) =	vpush v5, $0xF;
	_ =	sdelay $0xe  }
0x92: {  	s0 =	spop (v2sf)  }
0x93: {  	s0 =	sand.u32 $0x7F, s0  }
0x94: {  	v5 =	vor.u32 s0, v1;
	_ =	sdelay $0x3  }
0x95: {  	s1 =	sand.u32 $0x79, s1  }
0x96: {  	v6 =	vor.u32 s1, v1;
	v5 =	vld.idx.msk [tilespmem:v5+s11+$0x0], $0xffff  }
0x97: {  	v7 =	vor.u32 s0, v2;
	_ =	sdelay $0x3  }
0x98: {  	[tilespmem:v6+s19+$0x0] =	vst.idx.msk $0xffff, v5  }
0x99: {  	v6 =	vor.u32 s1, v2;
	v5 =	vld.idx.msk [tilespmem:v7+s11+$0x0], $0xffff  }
0x9a: {  	v7 =	vor.u32 s0, v3;
	_ =	sdelay $0x3  }
0x9b: {  	[tilespmem:v6+s19+$0x0] =	vst.idx.msk $0xffff, v5  }
0x9c: {  	v6 =	vor.u32 s1, v3;
	v5 =	vld.idx.msk [tilespmem:v7+s11+$0x0], $0xffff  }
0x9d: {  	v7 =	vor.u32 s0, v4;
	_ =	sdelay $0x3  }
0x9e: {  	[tilespmem:v6+s19+$0x0] =	vst.idx.msk $0xffff, v5  }
0x9f: {  	v6 =	vor.u32 s1, v4;
	v5 =	vld.idx.msk [tilespmem:v7+s11+$0x0], $0xffff;
	_ =	sdelay $0x3  }
0xa0: {  	s0 =	sadd.s32 $0x9, s29  }
0xa1: {  	s1 =	sand.u32 $0x1F0, s0;
	[tilespmem:v6+s19+$0x0] =	vst.idx.msk $0xffff, v5  }
0xa2: {  	v5 =	vld [tilespmem:s1+$0x0];
	_ =	sdelay $0x1  }
0xa3: {  	s0 =	sand.u32 $0x9, s0  }
0xa4: {  	v6 =	vmov s0  }
0xa5: {  	vm8 =	veq.s32 v6, v0  }
0xa6: {  	v5 =	vnsel vm8, $0x0, v5  }
0xa7: {  	(xrf0) =	vadd.scan.msk.s32 $0xffff, v5;
	_ =	sdelay $0x5  }
0xa8: {  	v5, _, _ =	vpop (xrf0)  }
0xa9: {  	(v2sf) =	vpush v5, $0xF;
	_ =	sdelay $0xe  }
0xaa: {  	s1 =	spop (v2sf)  }
0xab: {  	s0 =	sand.u32 $0xFFFFF80, s1  }
0xac: {  	s0 =	sadd.s32 s2, s0  }
0xad: {  	[tilespmem:s11], [sflag:$0x2] =	stream.strided.gather [hbm4b:s0+s7], $0x2000, s9, s7, $0x38;
	[tilespmem:$0x12180] =	vst v63  }
0xae: {  	_ =	swait.ge [sflag:s21], $0x2000  }
0xaf: {  	[sflag:s21] =	ssyncset.done $0x0  }
0xb0: {  	[sflag:s21] =	ssyncadd.s32 $0xFFFFE000  }
0xb1: {  	v5 =	vld [tilespmem:s31+$0x0]  }
0xb2: {  	s0 =	sadd.s32 $0x2, s29  }
0xb3: {  	s1 =	sand.u32 $0xA, s0  }
0xb4: {  	v6 =	vmov s1  }
0xb5: {  	vm8 =	veq.s32 v6, v0  }
0xb6: {  	v5 =	vnsel vm8, $0x0, v5  }
0xb7: {  	(xrf0) =	vadd.scan.msk.s32 $0xffff, v5;
	_ =	sdelay $0x5  }
0xb8: {  	v5, _, _ =	vpop (xrf0)  }
0xb9: {  	(v2sf) =	vpush v5, $0xF;
	_ =	sdelay $0xe  }
0xba: {  	s1 =	spop (v2sf)  }
0xbb: {  	s1 =	sand.u32 $0x7F, s1  }
0xbc: {  	v5 =	vor.u32 s1, v1;
	_ =	sdelay $0x3  }
0xbd: {  	s0 =	sand.u32 $0x7A, s0  }
0xbe: {  	v6 =	vor.u32 s0, v1;
	v5 =	vld.idx.msk [tilespmem:v5+s12+$0x0], $0xffff  }
0xbf: {  	v7 =	vor.u32 s1, v2;
	_ =	sdelay $0x3  }
0xc0: {  	[tilespmem:v6+s19+$0x0] =	vst.idx.msk $0xffff, v5  }
0xc1: {  	v6 =	vor.u32 s0, v2;
	v5 =	vld.idx.msk [tilespmem:v7+s12+$0x0], $0xffff  }
0xc2: {  	v7 =	vor.u32 s1, v3;
	_ =	sdelay $0x3  }
0xc3: {  	[tilespmem:v6+s19+$0x0] =	vst.idx.msk $0xffff, v5  }
0xc4: {  	v6 =	vor.u32 s0, v3;
	v5 =	vld.idx.msk [tilespmem:v7+s12+$0x0], $0xffff  }
0xc5: {  	v7 =	vor.u32 s1, v4;
	_ =	sdelay $0x3  }
0xc6: {  	[tilespmem:v6+s19+$0x0] =	vst.idx.msk $0xffff, v5  }
0xc7: {  	v6 =	vor.u32 s0, v4;
	v5 =	vld.idx.msk [tilespmem:v7+s12+$0x0], $0xffff;
	_ =	sdelay $0x3  }
0xc8: {  	s0 =	sadd.s32 $0xA, s29  }
0xc9: {  	s1 =	sand.u32 $0x1F0, s0;
	[tilespmem:v6+s19+$0x0] =	vst.idx.msk $0xffff, v5  }
0xca: {  	v5 =	vld [tilespmem:s1+$0x0];
	_ =	sdelay $0x1  }
0xcb: {  	s0 =	sand.u32 $0xA, s0  }
0xcc: {  	v6 =	vmov s0  }
0xcd: {  	vm8 =	veq.s32 v6, v0  }
0xce: {  	v5 =	vnsel vm8, $0x0, v5  }
0xcf: {  	(xrf0) =	vadd.scan.msk.s32 $0xffff, v5;
	_ =	sdelay $0x5  }
0xd0: {  	v5, _, _ =	vpop (xrf0)  }
0xd1: {  	(v2sf) =	vpush v5, $0xF;
	_ =	sdelay $0xe  }
0xd2: {  	s1 =	spop (v2sf)  }
0xd3: {  	s0 =	sand.u32 $0xFFFFF80, s1  }
0xd4: {  	s0 =	sadd.s32 s2, s0  }
0xd5: {  	[tilespmem:s12], [sflag:$0x3] =	stream.strided.gather [hbm4b:s0+s7], $0x2000, s9, s7, $0x38;
	[tilespmem:$0x12180] =	vst v63  }
0xd6: {  	_ =	swait.ge [sflag:s22], $0x2000  }
0xd7: {  	[sflag:s22] =	ssyncset.done $0x0  }
0xd8: {  	[sflag:s22] =	ssyncadd.s32 $0xFFFFE000  }
0xd9: {  	v5 =	vld [tilespmem:s31+$0x0]  }
0xda: {  	s0 =	sadd.s32 $0x3, s29  }
0xdb: {  	s1 =	sand.u32 $0xB, s0  }
0xdc: {  	v6 =	vmov s1  }
0xdd: {  	vm8 =	veq.s32 v6, v0  }
0xde: {  	v5 =	vnsel vm8, $0x0, v5  }
0xdf: {  	(xrf0) =	vadd.scan.msk.s32 $0xffff, v5;
	_ =	sdelay $0x5  }
0xe0: {  	v5, _, _ =	vpop (xrf0)  }
0xe1: {  	(v2sf) =	vpush v5, $0xF;
	_ =	sdelay $0xe  }
0xe2: {  	s1 =	spop (v2sf)  }
0xe3: {  	s1 =	sand.u32 $0x7F, s1  }
0xe4: {  	v5 =	vor.u32 s1, v1;
	_ =	sdelay $0x3  }
0xe5: {  	s0 =	sand.u32 $0x7B, s0  }
0xe6: {  	v6 =	vor.u32 s0, v1;
	v5 =	vld.idx.msk [tilespmem:v5+s13+$0x0], $0xffff  }
0xe7: {  	v7 =	vor.u32 s1, v2;
	_ =	sdelay $0x3  }
0xe8: {  	[tilespmem:v6+s19+$0x0] =	vst.idx.msk $0xffff, v5  }
0xe9: {  	v6 =	vor.u32 s0, v2;
	v5 =	vld.idx.msk [tilespmem:v7+s13+$0x0], $0xffff  }
0xea: {  	v7 =	vor.u32 s1, v3;
	_ =	sdelay $0x3  }
0xeb: {  	[tilespmem:v6+s19+$0x0] =	vst.idx.msk $0xffff, v5  }
0xec: {  	v6 =	vor.u32 s0, v3;
	v5 =	vld.idx.msk [tilespmem:v7+s13+$0x0], $0xffff  }
0xed: {  	v7 =	vor.u32 s1, v4;
	_ =	sdelay $0x3  }
0xee: {  	[tilespmem:v6+s19+$0x0] =	vst.idx.msk $0xffff, v5  }
0xef: {  	v6 =	vor.u32 s0, v4;
	v5 =	vld.idx.msk [tilespmem:v7+s13+$0x0], $0xffff;
	_ =	sdelay $0x3  }
0xf0: {  	s0 =	sadd.s32 $0xB, s29  }
0xf1: {  	s1 =	sand.u32 $0x1F0, s0;
	[tilespmem:v6+s19+$0x0] =	vst.idx.msk $0xffff, v5  }
0xf2: {  	v5 =	vld [tilespmem:s1+$0x0];
	_ =	sdelay $0x1  }
0xf3: {  	s0 =	sand.u32 $0xB, s0  }
0xf4: {  	v6 =	vmov s0  }
0xf5: {  	vm8 =	veq.s32 v6, v0  }
0xf6: {  	v5 =	vnsel vm8, $0x0, v5  }
0xf7: {  	(xrf0) =	vadd.scan.msk.s32 $0xffff, v5;
	_ =	sdelay $0x5  }
0xf8: {  	v5, _, _ =	vpop (xrf0)  }
0xf9: {  	(v2sf) =	vpush v5, $0xF;
	_ =	sdelay $0xe  }
0xfa: {  	s1 =	spop (v2sf)  }
0xfb: {  	s0 =	sand.u32 $0xFFFFF80, s1  }
0xfc: {  	s0 =	sadd.s32 s2, s0  }
0xfd: {  	[tilespmem:s13], [sflag:$0x4] =	stream.strided.gather [hbm4b:s0+s7], $0x2000, s9, s7, $0x38;
	[tilespmem:$0x12180] =	vst v63  }
0xfe: {  	_ =	swait.ge [sflag:s23], $0x2000  }
0xff: {  	[sflag:s23] =	ssyncset.done $0x0  }
0x100: {  	[sflag:s23] =	ssyncadd.s32 $0xFFFFE000  }
0x101: {  	v5 =	vld [tilespmem:s31+$0x0]  }
0x102: {  	s0 =	sadd.s32 $0x4, s29  }
0x103: {  	s1 =	sand.u32 $0xC, s0  }
0x104: {  	v6 =	vmov s1  }
0x105: {  	vm8 =	veq.s32 v6, v0  }
0x106: {  	v5 =	vnsel vm8, $0x0, v5  }
0x107: {  	(xrf0) =	vadd.scan.msk.s32 $0xffff, v5;
	_ =	sdelay $0x5  }
0x108: {  	v5, _, _ =	vpop (xrf0)  }
0x109: {  	(v2sf) =	vpush v5, $0xF;
	_ =	sdelay $0xe  }
0x10a: {  	s1 =	spop (v2sf)  }
0x10b: {  	s1 =	sand.u32 $0x7F, s1  }
0x10c: {  	v5 =	vor.u32 s1, v1;
	_ =	sdelay $0x3  }
0x10d: {  	s0 =	sand.u32 $0x7C, s0  }
0x10e: {  	v6 =	vor.u32 s0, v1;
	v5 =	vld.idx.msk [tilespmem:v5+s14+$0x0], $0xffff  }
0x10f: {  	v7 =	vor.u32 s1, v2;
	_ =	sdelay $0x3  }
0x110: {  	[tilespmem:v6+s19+$0x0] =	vst.idx.msk $0xffff, v5  }
0x111: {  	v6 =	vor.u32 s0, v2;
	v5 =	vld.idx.msk [tilespmem:v7+s14+$0x0], $0xffff  }
0x112: {  	v7 =	vor.u32 s1, v3;
	_ =	sdelay $0x3  }
0x113: {  	[tilespmem:v6+s19+$0x0] =	vst.idx.msk $0xffff, v5  }
0x114: {  	v6 =	vor.u32 s0, v3;
	v5 =	vld.idx.msk [tilespmem:v7+s14+$0x0], $0xffff  }
0x115: {  	v7 =	vor.u32 s1, v4;
	_ =	sdelay $0x3  }
0x116: {  	[tilespmem:v6+s19+$0x0] =	vst.idx.msk $0xffff, v5  }
0x117: {  	v6 =	vor.u32 s0, v4;
	v5 =	vld.idx.msk [tilespmem:v7+s14+$0x0], $0xffff;
	_ =	sdelay $0x3  }
0x118: {  	s0 =	sadd.s32 $0xC, s29  }
0x119: {  	s1 =	sand.u32 $0x1F0, s0;
	[tilespmem:v6+s19+$0x0] =	vst.idx.msk $0xffff, v5  }
0x11a: {  	v5 =	vld [tilespmem:s1+$0x0];
	_ =	sdelay $0x1  }
0x11b: {  	s0 =	sand.u32 $0xC, s0  }
0x11c: {  	v6 =	vmov s0  }
0x11d: {  	vm8 =	veq.s32 v6, v0  }
0x11e: {  	v5 =	vnsel vm8, $0x0, v5  }
0x11f: {  	(xrf0) =	vadd.scan.msk.s32 $0xffff, v5;
	_ =	sdelay $0x5  }
0x120: {  	v5, _, _ =	vpop (xrf0)  }
0x121: {  	(v2sf) =	vpush v5, $0xF;
	_ =	sdelay $0xe  }
0x122: {  	s1 =	spop (v2sf)  }
0x123: {  	s0 =	sand.u32 $0xFFFFF80, s1  }
0x124: {  	s0 =	sadd.s32 s2, s0  }
0x125: {  	[tilespmem:s14], [sflag:$0x5] =	stream.strided.gather [hbm4b:s0+s7], $0x2000, s9, s7, $0x38;
	[tilespmem:$0x12180] =	vst v63  }
0x126: {  	_ =	swait.ge [sflag:s24], $0x2000  }
0x127: {  	[sflag:s24] =	ssyncset.done $0x0  }
0x128: {  	[sflag:s24] =	ssyncadd.s32 $0xFFFFE000  }
0x129: {  	v5 =	vld [tilespmem:s31+$0x0]  }
0x12a: {  	s0 =	sadd.s32 $0x5, s29  }
0x12b: {  	s1 =	sand.u32 $0xD, s0  }
0x12c: {  	v6 =	vmov s1  }
0x12d: {  	vm8 =	veq.s32 v6, v0  }
0x12e: {  	v5 =	vnsel vm8, $0x0, v5  }
0x12f: {  	(xrf0) =	vadd.scan.msk.s32 $0xffff, v5;
	_ =	sdelay $0x5  }
0x130: {  	v5, _, _ =	vpop (xrf0)  }
0x131: {  	(v2sf) =	vpush v5, $0xF;
	_ =	sdelay $0xe  }
0x132: {  	s1 =	spop (v2sf)  }
0x133: {  	s1 =	sand.u32 $0x7F, s1  }
0x134: {  	v5 =	vor.u32 s1, v1;
	_ =	sdelay $0x3  }
0x135: {  	s0 =	sand.u32 $0x7D, s0  }
0x136: {  	v6 =	vor.u32 s0, v1;
	v5 =	vld.idx.msk [tilespmem:v5+s15+$0x0], $0xffff  }
0x137: {  	v7 =	vor.u32 s1, v2;
	_ =	sdelay $0x3  }
0x138: {  	[tilespmem:v6+s19+$0x0] =	vst.idx.msk $0xffff, v5  }
0x139: {  	v6 =	vor.u32 s0, v2;
	v5 =	vld.idx.msk [tilespmem:v7+s15+$0x0], $0xffff  }
0x13a: {  	v7 =	vor.u32 s1, v3;
	_ =	sdelay $0x3  }
0x13b: {  	[tilespmem:v6+s19+$0x0] =	vst.idx.msk $0xffff, v5  }
0x13c: {  	v6 =	vor.u32 s0, v3;
	v5 =	vld.idx.msk [tilespmem:v7+s15+$0x0], $0xffff  }
0x13d: {  	v7 =	vor.u32 s1, v4;
	_ =	sdelay $0x3  }
0x13e: {  	[tilespmem:v6+s19+$0x0] =	vst.idx.msk $0xffff, v5  }
0x13f: {  	v6 =	vor.u32 s0, v4;
	v5 =	vld.idx.msk [tilespmem:v7+s15+$0x0], $0xffff;
	_ =	sdelay $0x3  }
0x140: {  	s0 =	sadd.s32 $0xD, s29  }
0x141: {  	s1 =	sand.u32 $0x1F0, s0;
	[tilespmem:v6+s19+$0x0] =	vst.idx.msk $0xffff, v5  }
0x142: {  	v5 =	vld [tilespmem:s1+$0x0];
	_ =	sdelay $0x1  }
0x143: {  	s0 =	sand.u32 $0xD, s0  }
0x144: {  	v6 =	vmov s0  }
0x145: {  	vm8 =	veq.s32 v6, v0  }
0x146: {  	v5 =	vnsel vm8, $0x0, v5  }
0x147: {  	(xrf0) =	vadd.scan.msk.s32 $0xffff, v5;
	_ =	sdelay $0x5  }
0x148: {  	v5, _, _ =	vpop (xrf0)  }
0x149: {  	(v2sf) =	vpush v5, $0xF;
	_ =	sdelay $0xe  }
0x14a: {  	s1 =	spop (v2sf)  }
0x14b: {  	s0 =	sand.u32 $0xFFFFF80, s1  }
0x14c: {  	s0 =	sadd.s32 s2, s0  }
0x14d: {  	[tilespmem:s15], [sflag:$0x6] =	stream.strided.gather [hbm4b:s0+s7], $0x2000, s9, s7, $0x38;
	[tilespmem:$0x12180] =	vst v63  }
0x14e: {  	_ =	swait.ge [sflag:s25], $0x2000  }
0x14f: {  	[sflag:s25] =	ssyncset.done $0x0  }
0x150: {  	[sflag:s25] =	ssyncadd.s32 $0xFFFFE000  }
0x151: {  	v5 =	vld [tilespmem:s31+$0x0]  }
0x152: {  	s0 =	sadd.s32 $0x6, s29  }
0x153: {  	s1 =	sand.u32 $0xE, s0  }
0x154: {  	v6 =	vmov s1  }
0x155: {  	vm8 =	veq.s32 v6, v0  }
0x156: {  	v5 =	vnsel vm8, $0x0, v5  }
0x157: {  	(xrf0) =	vadd.scan.msk.s32 $0xffff, v5;
	_ =	sdelay $0x5  }
0x158: {  	v5, _, _ =	vpop (xrf0)  }
0x159: {  	(v2sf) =	vpush v5, $0xF;
	_ =	sdelay $0xe  }
0x15a: {  	s1 =	spop (v2sf)  }
0x15b: {  	s1 =	sand.u32 $0x7F, s1  }
0x15c: {  	v5 =	vor.u32 s1, v1;
	_ =	sdelay $0x3  }
0x15d: {  	s0 =	sand.u32 $0x7E, s0  }
0x15e: {  	v6 =	vor.u32 s0, v1;
	v5 =	vld.idx.msk [tilespmem:v5+s16+$0x0], $0xffff  }
0x15f: {  	v7 =	vor.u32 s1, v2;
	_ =	sdelay $0x3  }
0x160: {  	[tilespmem:v6+s19+$0x0] =	vst.idx.msk $0xffff, v5  }
0x161: {  	v6 =	vor.u32 s0, v2;
	v5 =	vld.idx.msk [tilespmem:v7+s16+$0x0], $0xffff  }
0x162: {  	v7 =	vor.u32 s1, v3;
	_ =	sdelay $0x3  }
0x163: {  	[tilespmem:v6+s19+$0x0] =	vst.idx.msk $0xffff, v5  }
0x164: {  	v6 =	vor.u32 s0, v3;
	v5 =	vld.idx.msk [tilespmem:v7+s16+$0x0], $0xffff  }
0x165: {  	v7 =	vor.u32 s1, v4;
	_ =	sdelay $0x3  }
0x166: {  	[tilespmem:v6+s19+$0x0] =	vst.idx.msk $0xffff, v5  }
0x167: {  	v6 =	vor.u32 s0, v4;
	v5 =	vld.idx.msk [tilespmem:v7+s16+$0x0], $0xffff;
	_ =	sdelay $0x3  }
0x168: {  	s0 =	sadd.s32 $0xE, s29  }
0x169: {  	s1 =	sand.u32 $0x1F0, s0;
	[tilespmem:v6+s19+$0x0] =	vst.idx.msk $0xffff, v5  }
0x16a: {  	v5 =	vld [tilespmem:s1+$0x0];
	_ =	sdelay $0x1  }
0x16b: {  	s0 =	sand.u32 $0xE, s0  }
0x16c: {  	v6 =	vmov s0  }
0x16d: {  	vm8 =	veq.s32 v6, v0  }
0x16e: {  	v5 =	vnsel vm8, $0x0, v5  }
0x16f: {  	(xrf0) =	vadd.scan.msk.s32 $0xffff, v5;
	_ =	sdelay $0x5  }
0x170: {  	v5, _, _ =	vpop (xrf0)  }
0x171: {  	(v2sf) =	vpush v5, $0xF;
	_ =	sdelay $0xe  }
0x172: {  	s1 =	spop (v2sf)  }
0x173: {  	s0 =	sand.u32 $0xFFFFF80, s1  }
0x174: {  	s0 =	sadd.s32 s2, s0  }
0x175: {  	[tilespmem:s16], [sflag:$0x7] =	stream.strided.gather [hbm4b:s0+s7], $0x2000, s9, s7, $0x38;
	[tilespmem:$0x12180] =	vst v63  }
0x176: {  	_ =	swait.ge [sflag:s26], $0x2000  }
0x177: {  	[sflag:s26] =	ssyncset.done $0x0  }
0x178: {  	[sflag:s26] =	ssyncadd.s32 $0xFFFFE000  }
0x179: {  	v5 =	vld [tilespmem:s31+$0x0]  }
0x17a: {  	s0 =	sadd.s32 $0x7, s29  }
0x17b: {  	s31 =	sand.u32 $0xF, s0  }
0x17c: {  	v6 =	vmov s31  }
0x17d: {  	vm8 =	veq.s32 v6, v0  }
0x17e: {  	v5 =	vnsel vm8, $0x0, v5  }
0x17f: {  	(xrf0) =	vadd.scan.msk.s32 $0xffff, v5;
	_ =	sdelay $0x5  }
0x180: {  	v5, _, _ =	vpop (xrf0)  }
0x181: {  	(v2sf) =	vpush v5, $0xF;
	_ =	sdelay $0xe  }
0x182: {  	s31 =	spop (v2sf)  }
0x183: {  	s1 =	sand.u32 $0x7F, s31  }
0x184: {  	v5 =	vor.u32 s1, v1;
	_ =	sdelay $0x3  }
0x185: {  	s0 =	sand.u32 $0x7F, s0  }
0x186: {  	v6 =	vor.u32 s0, v1;
	v5 =	vld.idx.msk [tilespmem:v5+s17+$0x0], $0xffff  }
0x187: {  	v7 =	vor.u32 s1, v2;
	_ =	sdelay $0x3  }
0x188: {  	[tilespmem:v6+s19+$0x0] =	vst.idx.msk $0xffff, v5  }
0x189: {  	v6 =	vor.u32 s0, v2;
	v5 =	vld.idx.msk [tilespmem:v7+s17+$0x0], $0xffff  }
0x18a: {  	v7 =	vor.u32 s1, v3;
	_ =	sdelay $0x3  }
0x18b: {  	[tilespmem:v6+s19+$0x0] =	vst.idx.msk $0xffff, v5  }
0x18c: {  	v6 =	vor.u32 s0, v3;
	v5 =	vld.idx.msk [tilespmem:v7+s17+$0x0], $0xffff  }
0x18d: {  	v7 =	vor.u32 s1, v4;
	_ =	sdelay $0x3  }
0x18e: {  	[tilespmem:v6+s19+$0x0] =	vst.idx.msk $0xffff, v5  }
0x18f: {  	v6 =	vor.u32 s0, v4;
	v5 =	vld.idx.msk [tilespmem:v7+s17+$0x0], $0xffff;
	_ =	sdelay $0x3  }
0x190: {  	s1 =	sadd.s32 $0xF, s29  }
0x191: {  	s31 =	sand.u32 $0x1F0, s1;
	[tilespmem:v6+s19+$0x0] =	vst.idx.msk $0xffff, v5  }
0x192: {  	v5 =	vld [tilespmem:s31+$0x0];
	_ =	sdelay $0x1  }
0x193: {  	s1 =	sand.u32 $0xF, s1  }
0x194: {  	v6 =	vmov s1  }
0x195: {  	vm8 =	veq.s32 v6, v0  }
0x196: {  	v5 =	vnsel vm8, $0x0, v5  }
0x197: {  	(xrf0) =	vadd.scan.msk.s32 $0xffff, v5;
	_ =	sdelay $0x5  }
0x198: {  	v5, _, _ =	vpop (xrf0)  }
0x199: {  	(v2sf) =	vpush v5, $0xF;
	_ =	sdelay $0xe  }
0x19a: {  	s31 =	spop (v2sf)  }
0x19b: {  	s1 =	sand.u32 $0xFFFFF80, s31  }
0x19c: {  	p1 =	sne.s32 s30, $0x100;
	p0 =	sne.s32 s0, $0x7F;
	s1 =	sadd.s32 s2, s1  }
0x19d: {  	[tilespmem:s17], [sflag:$0x8] =	stream.strided.gather [hbm4b:s1+s7], $0x2000, s9, s7, $0x38;
	[tilespmem:$0x12180] =	vst v63  }
0x19e: {  	s0 =	sand.u32 @!p0 $0x80, s29;
	s29 =	simm.s32 @!p0 $0x10000;
	s1 =	rddreg [dreg:$0x4]  }
0x19f: {  	s31 =	simm.s32 @!p0 $0x10180;
	s0 =	sadd.s32 @!p0 s0, s1;
	s1 =	simm.s32 @!p0 $0x400  }
0x1a0: {  	[hbm4b:s0+s1] =	stream.strided.scatter @!p0 [tilespmem:s31], [sflag:$0x9], $0x2000, s29, s1, $0x38;
	[tilespmem:$0x12180] =	vst v63  }
.Ltmp0:
0x1a1: {  	_ = 	snop;
	(pc) =	sbr.rel @p1 .LBB2_2-.Ltmp0, $4  }
0x1a2: {  	s0 =	simm.s32 @!p0 $0x9  }
0x1a3: {  	_ =	swait.ge @!p0 [sflag:s0], $0x2000  }
0x1a4: {  	[sflag:s0] =	ssyncset.done @!p0 $0x0  }
0x1a5: {  	s29 =	smov.u32 s30;
	[sflag:s0] =	ssyncadd.s32 @!p0 $0xFFFFE000  }
0x1a6: {  	_ =	swait.ge [sflag:s18], $0x2000  }
0x1a7: {  	[sflag:s18] =	ssyncset.done $0x0  }
0x1a8: {  	[sflag:s18] =	ssyncadd.s32 $0xFFFFE000  }
0x1a9: {  	_ =	swait.ge [sflag:s20], $0x2000  }
0x1aa: {  	[sflag:s20] =	ssyncset.done $0x0  }
0x1ab: {  	[sflag:s20] =	ssyncadd.s32 $0xFFFFE000  }
0x1ac: {  	_ =	swait.ge [sflag:s21], $0x2000  }
0x1ad: {  	[sflag:s21] =	ssyncset.done $0x0  }
0x1ae: {  	[sflag:s21] =	ssyncadd.s32 $0xFFFFE000  }
0x1af: {  	_ =	swait.ge [sflag:s22], $0x2000  }
0x1b0: {  	[sflag:s22] =	ssyncset.done $0x0  }
0x1b1: {  	[sflag:s22] =	ssyncadd.s32 $0xFFFFE000  }
0x1b2: {  	_ =	swait.ge [sflag:s23], $0x2000  }
0x1b3: {  	[sflag:s23] =	ssyncset.done $0x0  }
0x1b4: {  	[sflag:s23] =	ssyncadd.s32 $0xFFFFE000  }
0x1b5: {  	_ =	swait.ge [sflag:s24], $0x2000  }
0x1b6: {  	[sflag:s24] =	ssyncset.done $0x0  }
0x1b7: {  	s28 =	sadd.s32 $0x1, s28;
	[sflag:s24] =	ssyncadd.s32 $0xFFFFE000  }
0x1b8: {  	p0 =	sne.s32 s28, s5;
	_ =	swait.ge [sflag:s25], $0x2000  }
.Ltmp1:
0x1b9: {  	[sflag:s25] =	ssyncset.done $0x0;
	(pc) =	sbr.rel @p0 .LBB2_1-.Ltmp1, $4  }
0x1ba: {  	[sflag:s25] =	ssyncadd.s32 $0xFFFFE000  }
0x1bb: {  	_ =	swait.ge [sflag:s26], $0x2000  }
0x1bc: {  	[sflag:s26] =	ssyncset.done $0x0  }
0x1bd: {  	[sflag:s26] =	ssyncadd.s32 $0xFFFFE000  }
0x1be: {  	_ =	sfence.sel $0x180000  }
0x1bf: {  	[bflag:$0x0] =	sbarrier.arrive $0xFFFF  }
0x1c0: {  	_ =	strace $0x90000047  }
0x1c1: {  	s0 =	stileid.u32;
	[bflag:$0x2] =	sbarrier.arrive $0xFFFF  }
0x1c2: {  	p0 =	sne.s32 s0, $0x0;
	s0 =	rddreg [dreg:$0x3]  }
0x1c3: {  	s0 =	sadd.s32 @!p0 $0x100000, s0  }
0x1c4: {  	[sflag:s0] =	ssyncadd.tile.s32 @!p0 $0x1;
	_ =	shalt  }
.Lfunc_end2:
_tile_overlayer_lowered:
.L_overlay_start_2:
0x1c5: {  	(tag) =	ssettag $0x2  }
0x1c6: {  	s0 =	rddreg [dreg:$0x0];
	s2 =	stileid.u32  }
0x1c7: {  	s1 =	rddreg [dreg:$0x1];
	p0 =	sne.s32 s2, $0x0  }
0x1c8: {  	s3 =	rddreg [dreg:$0x2];
	[bflag:$0x3] =	sbarrier.arrive $0xFFFF;
	s2 =	simm.s32 @!p0 $0x1C09  }
0x1c9: {  	[timem:s3], [sflag:s2] =	dma.local @!p0 [hbm:s0], s1  }
0x1ca: {  	s0 =	simm.s32 @!p0 $0x9  }
0x1cb: {  	_ =	swait.ge @!p0 [sflag:s0], s1  }
0x1cc: {  	s1 =	ssub.s32 @!p0 $0x0, s1;
	[sflag:s0] =	ssyncset.done @!p0 $0x0  }
0x1cd: {  	[sflag:s0] =	ssyncadd.s32 @!p0 s1  }
0x1ce: {  	[bflag:$0x3] =	sbarrier.arrive $0xFFFF  }
0x1cf: {  	_ =	shalt  }

</sc_bundles>
